<compile_context>
chip_gen: v7x
topology: tpu7x:2x2x1
jax: 0.10.2.dev20260603
libtpu: 0.0.44.dev20260713+nightly
codegen_flags: <defaults>
</compile_context>

<pallas_src>
import functools

import jax
import jax.numpy as jnp
from jax import lax
from jax.experimental import pallas as pl
from jax.experimental.pallas import tpu as pltpu
from jax.experimental.pallas import tpu_sc as plsc

B, S, D, E, CAP = 2, 2048, 768, 64, 80
T = B * S
SLOTS = E * CAP
TRASH = SLOTS
SLOTS_PAD = SLOTS + CAP
D_PK = D // 2
CHUNK = 512
NCHUNK = T // CHUNK

NW = 32
TOK_PER_TILE = T // NW



def _route_core(i, h, wg_ref, locs_ref, locg_ref, gate_ref, run_ref):
    logits = jnp.dot(h, wg_ref[...], preferred_element_type=jnp.float32)
    m = jnp.max(logits, axis=-1, keepdims=True)
    pmax = 1.0 / jnp.sum(jnp.exp(logits - m), axis=-1, keepdims=True)
    eidx = lax.broadcasted_iota(jnp.int32, (CHUNK, E), 1)
    idx = jnp.min(jnp.where(logits == m, eidx, E), axis=-1, keepdims=True)
    maskf = (eidx == idx).astype(jnp.float32)
    r = lax.broadcasted_iota(jnp.int32, (CHUNK, CHUNK), 0)
    c = lax.broadcasted_iota(jnp.int32, (CHUNK, CHUNK), 1)
    tril = (r >= c).astype(jnp.float32)

    @pl.when(i == 0)
    def _():
        run_ref[...] = jnp.zeros_like(run_ref)

    cum = (
        jnp.dot(tril, maskf, preferred_element_type=jnp.float32)
        + run_ref[...]
    )
    pos = jnp.sum(maskf * cum, axis=-1, keepdims=True) - 1.0
    run_ref[...] = run_ref[...] + jnp.sum(maskf, axis=0, keepdims=True)
    keep = pos < float(CAP)
    loc = idx * CAP + pos.astype(jnp.int32)
    tid = lax.broadcasted_iota(jnp.int32, (CHUNK, 1), 0)
    locs_ref[...] = jnp.where(keep, loc, TRASH + (tid & 15))
    locg_ref[...] = jnp.where(keep, loc, 0)
    gate_ref[...] = jnp.where(keep, pmax, 0.0)


def _route2_body(x_ref, w1_ref, b1_ref, wg_ref,
                 h_ref, locs_ref, locg_ref, gate_ref, run_ref):
    h = (
        jnp.dot(x_ref[...], w1_ref[...], preferred_element_type=jnp.float32)
        + b1_ref[...]
    )
    h_ref[...] = h
    _route_core(pl.program_id(0), h, wg_ref,
                locs_ref, locg_ref, gate_ref, run_ref)


def _route3_body(comb_ref, gprev_ref, wg_ref,
                 locs_ref, locg_ref, gate_ref, h2_ref, run_ref):
    g = gprev_ref[...]
    h = jnp.where(g > 0.0, comb_ref[...] * g, 0.0)
    h2_ref[...] = h
    _route_core(pl.program_id(0), h, wg_ref,
                locs_ref, locg_ref, gate_ref, run_ref)


_TOKVEC_SPEC = pl.BlockSpec((CHUNK, 1), lambda i: (i, 0))
_TOKVEC_I32 = jax.ShapeDtypeStruct((T, 1), jnp.int32)
_TOKVEC_F32 = jax.ShapeDtypeStruct((T, 1), jnp.float32)


def _route2(x2d, W1, b1, Wg):
    return pl.pallas_call(
        _route2_body,
        grid=(NCHUNK,),
        in_specs=[
            pl.BlockSpec((CHUNK, D), lambda i: (i, 0)),
            pl.BlockSpec((D, D), lambda i: (0, 0)),
            pl.BlockSpec((1, D), lambda i: (0, 0)),
            pl.BlockSpec((D, E), lambda i: (0, 0)),
        ],
        out_specs=[pl.BlockSpec((CHUNK, D), lambda i: (i, 0)),
                   _TOKVEC_SPEC, _TOKVEC_SPEC, _TOKVEC_SPEC],
        out_shape=[jax.ShapeDtypeStruct((T, D), jnp.float32),
                   _TOKVEC_I32, _TOKVEC_I32, _TOKVEC_F32],
        scratch_shapes=[pltpu.VMEM((1, E), jnp.float32)],
    )(x2d, W1, b1.reshape(1, D), Wg)


def _route3(comb, gate_prev, Wg):
    return pl.pallas_call(
        _route3_body,
        grid=(NCHUNK,),
        in_specs=[
            pl.BlockSpec((CHUNK, D), lambda i: (i, 0)),
            pl.BlockSpec((CHUNK, 1), lambda i: (i, 0)),
            pl.BlockSpec((D, E), lambda i: (0, 0)),
        ],
        out_specs=[_TOKVEC_SPEC, _TOKVEC_SPEC, _TOKVEC_SPEC,
                   pl.BlockSpec((CHUNK, D), lambda i: (i, 0))],
        out_shape=[_TOKVEC_I32, _TOKVEC_I32, _TOKVEC_F32,
                   jax.ShapeDtypeStruct((T, D), jnp.float32)],
        scratch_shapes=[pltpu.VMEM((1, E), jnp.float32)],
    )(comb, gate_prev, Wg)


def _expert_body(buf_ref, w_ref, b_ref, o_ref):
    acc = jnp.dot(
        buf_ref[0].astype(jnp.bfloat16),
        w_ref[0].astype(jnp.bfloat16),
        preferred_element_type=jnp.float32,
    )
    o_ref[0] = acc + b_ref[0]


def _expert(buf, We, be):
    buf = buf.reshape(SLOTS_PAD // CAP, CAP, D)
    return pl.pallas_call(
        _expert_body,
        grid=(E,),
        in_specs=[
            pl.BlockSpec((1, CAP, D), lambda e: (e, 0, 0)),
            pl.BlockSpec((1, D, D), lambda e: (e, 0, 0)),
            pl.BlockSpec((1, 1, D), lambda e: (e, 0, 0)),
        ],
        out_specs=pl.BlockSpec((1, CAP, D), lambda e: (e, 0, 0)),
        out_shape=jax.ShapeDtypeStruct((E, CAP, D), jnp.float32),
    )(buf, We, be.reshape(E, 1, D))


def _dispatch_body(h_hbm, locs_hbm, buf_hbm, loc_v, rows_v, sem, sem2):
    cid = lax.axis_index("c")
    sid = lax.axis_index("s")
    wid = sid * 2 + cid
    base = wid * TOK_PER_TILE
    pltpu.sync_copy(locs_hbm.at[pl.ds(base, TOK_PER_TILE)], loc_v)
    pltpu.async_copy(h_hbm.at[pl.ds(base, TOK_PER_TILE)], rows_v, sem).wait()
    pltpu.async_copy(rows_v, buf_hbm.at[loc_v], sem2).wait()


def _combine_body(eo_hbm, locg_hbm, out_hbm, idx_v, rows_v, sem):
    wid = lax.axis_index("s") * 2 + lax.axis_index("c")
    base = wid * TOK_PER_TILE
    pltpu.sync_copy(locg_hbm.at[pl.ds(base, TOK_PER_TILE)], idx_v)
    pltpu.async_copy(eo_hbm.at[idx_v], rows_v, sem).wait()
    pltpu.sync_copy(rows_v, out_hbm.at[pl.ds(base, TOK_PER_TILE)])


@functools.cache
def _sc_kernels():
    mesh = plsc.VectorSubcoreMesh(core_axis_name="c", subcore_axis_name="s")
    params = pltpu.CompilerParams(needs_layout_passes=False)
    dispatch = pl.kernel(
        _dispatch_body,
        out_type=jax.ShapeDtypeStruct((SLOTS_PAD, D), jnp.float32),
        mesh=mesh,
        compiler_params=params,
        scratch_types=[
            pltpu.VMEM((TOK_PER_TILE,), jnp.int32),
            pltpu.VMEM((TOK_PER_TILE, D), jnp.float32),
            pltpu.SemaphoreType.DMA,
            pltpu.SemaphoreType.DMA,
        ],
    )
    combine = pl.kernel(
        _combine_body,
        out_type=jax.ShapeDtypeStruct((T, D), jnp.float32),
        mesh=mesh,
        compiler_params=params,
        scratch_types=[
            pltpu.VMEM((TOK_PER_TILE,), jnp.int32),
            pltpu.VMEM((TOK_PER_TILE, D), jnp.float32),
            pltpu.SemaphoreType.DMA,
        ],
    )
    return dispatch, combine


def _dispatch(h, locs):
    return _sc_kernels()[0](h, locs)


def _combine(eo, locg):
    return _sc_kernels()[1](eo, locg)


def _final_body(h_ref, comb_ref, gate_ref, y_ref, o_ref, acc_ref):
    i = pl.program_id(0)
    g = gate_ref[...]
    hid = h_ref[...] + jnp.where(g > 0.0, comb_ref[...] * g, 0.0)
    cs = jnp.sum(hid, axis=0, keepdims=True)
    rows8 = lax.broadcasted_iota(jnp.int32, (NCHUNK, 1), 0)
    upd = jnp.where(rows8 == i, 1.0, 0.0) * cs

    @pl.when(i == 0)
    def _():
        acc_ref[...] = upd

    @pl.when(i > 0)
    def _():
        acc_ref[...] = acc_ref[...] + upd

    @pl.when(i == NCHUNK - 1)
    def _():
        sums = acc_ref[...]
        b0 = jnp.sum(sums[0:4, :], axis=0, keepdims=True)
        b1 = jnp.sum(sums[4:8, :], axis=0, keepdims=True)
        sent = jnp.concatenate([b0, b1], axis=0) * (1.0 / S)
        m = jnp.max(sent, axis=-1, keepdims=True)
        lse = jnp.log(jnp.sum(jnp.exp(sent - m), axis=-1, keepdims=True)) + m
        logp = sent - lse
        col = lax.broadcasted_iota(jnp.int32, (B, D), 1)
        row = lax.broadcasted_iota(jnp.int32, (B, D), 0)
        ysel = jnp.where(row == 0, y_ref[0], y_ref[1])
        loss = -jnp.sum(jnp.where(col == ysel, logp, 0.0)) * (1.0 / B)
        o_ref[...] = jnp.full((8, 128), loss, jnp.float32)


def _final(h, comb3, gate3, y32):
    return pl.pallas_call(
        _final_body,
        grid=(NCHUNK,),
        in_specs=[
            pl.BlockSpec((CHUNK, D), lambda i: (i, 0)),
            pl.BlockSpec((CHUNK, D), lambda i: (i, 0)),
            pl.BlockSpec((CHUNK, 1), lambda i: (i, 0)),
            pl.BlockSpec(memory_space=pltpu.SMEM),
        ],
        out_specs=pl.BlockSpec((8, 128), lambda i: (0, 0)),
        out_shape=jax.ShapeDtypeStruct((8, 128), jnp.float32),
        scratch_shapes=[pltpu.VMEM((NCHUNK, D), jnp.float32)],
    )(h, comb3, gate3, y32)


def kernel(x, y, W1, b1, Wg2, We2, be2, Wg3, We3, be3):
    x2d = x.reshape(T, D)
    y32 = y.astype(jnp.int32)

    h, locs2, locg2, gate2 = _route2(x2d, W1, b1, Wg2)
    buf2 = _dispatch(h, locs2.reshape(T))
    eo2 = _expert(buf2, We2, be2)
    comb2 = _combine(eo2.reshape(SLOTS, D), locg2.reshape(T))

    locs3, locg3, gate3, h2 = _route3(comb2, gate2, Wg3)
    buf3 = _dispatch(h2, locs3.reshape(T))
    eo3 = _expert(buf3, We3, be3)
    comb3 = _combine(eo3.reshape(SLOTS, D), locg3.reshape(T))

    loss = _final(h, comb3, gate3, y32)
    return loss[0, 0]

# --- scband reference (transcript-rebuilt; emitter-appended) ---
"""Pipeline reference for scband-simple-dynamic-mo-emodel-64725157151314 (READ-ONLY COPY).

The authoritative reference and input builder live on the scoring server;
editing this copy changes nothing except your own understanding.
"""

import jax, jax.numpy as jnp
import numpy as np

B, S, D, E, CAP = 2, 2048, 768, 64, 80  # CAP = ceil(1.25 * B*S / E)


def setup_inputs(seed: int = 0) -> dict:
    key = jax.random.key(seed)
    ks = jax.random.split(key, 10)
    return {
        "x": jax.random.normal(ks[0], (B, S, D), dtype=jnp.float32),
        "y": jax.random.randint(ks[1], (B,), 0, D),
        "W1": jax.random.normal(ks[2], (D, D), dtype=jnp.float32) * 0.02,
        "b1": jnp.zeros((D,), dtype=jnp.float32),
        "Wg2": jax.random.normal(ks[3], (D, E), dtype=jnp.float32) * 0.02,
        "We2": jax.random.normal(ks[4], (E, D, D), dtype=jnp.float32) * 0.02,
        "be2": jnp.zeros((E, D), dtype=jnp.float32),
        "Wg3": jax.random.normal(ks[5], (D, E), dtype=jnp.float32) * 0.02,
        "We3": jax.random.normal(ks[6], (E, D, D), dtype=jnp.float32) * 0.02,
        "be3": jnp.zeros((E, D), dtype=jnp.float32),
    }


def _moe_top1(x2d, Wg, We, be):
    # DeepSpeed-style top-1 gated MoE with capacity factor and token dropping.
    logits = x2d @ Wg                                   # [T, E]
    probs = jax.nn.softmax(logits, axis=-1)
    idx = jnp.argmax(probs, axis=-1)                    # [T] expert assignment (k=1)
    mask = jax.nn.one_hot(idx, E, dtype=x2d.dtype)      # [T, E]
    pos = (jnp.cumsum(mask, axis=0) - 1.0) * mask       # position within expert
    keep = mask * (pos < CAP).astype(x2d.dtype)         # drop tokens over capacity
    keep_tok = keep.sum(axis=-1)                        # [T] 1.0 if kept
    gate = (probs * mask).sum(axis=-1) * keep_tok       # [T] top-1 gate value
    pos_i = (pos * keep).sum(axis=-1).astype(jnp.int32)
    loc = idx.astype(jnp.int32) * CAP + pos_i           # flat slot in expert buffers
    loc = jnp.where(keep_tok > 0, loc, 0)
    # dispatch: scatter tokens into per-expert capacity buffers (all-to-all analogue)
    buf = jnp.zeros((E * CAP, x2d.shape[1]), x2d.dtype).at[loc].add(x2d * keep_tok[:, None])
    buf = buf.reshape(E, CAP, -1)
    # each expert is a Linear(hidden, hidden)
    eo = jnp.einsum('ecd,edh->ech', buf, We) + be[:, None, :]
    eo = eo.reshape(E * CAP, -1)
    # combine: gather each token's expert output, scale by gate
    return eo[loc] * gate[:, None]


def reference(x, y, W1, b1, Wg2, We2, be2, Wg3, We3, be3):
    h = x @ W1 + b1                                     # self.linear
    h2 = _moe_top1(h.reshape(-1, D), Wg2, We2, be2).reshape(B, S, D)
    h3 = _moe_top1(h2.reshape(-1, D), Wg3, We3, be3).reshape(B, S, D)
    hid = h + h3
    sent = hid.mean(axis=1)                             # [B, D]
    logp = jax.nn.log_softmax(sent, axis=-1)
    loss = -jnp.mean(logp[jnp.arange(B), y])
    return loss

if __name__ == "__main__":
    import jax
    _d = setup_inputs()
    print(jax.jit(kernel)(*tuple(_d.values())))

</pallas_src>

<mosaic_0001>
#map = affine_map<(d0, d1) -> (0, 0)>
#map1 = affine_map<(d0, d1) -> (0)>
module attributes {stable_mosaic.version = 14 : i64} {
  func.func @_combine_body(%arg0: i32, %arg1: i32, %arg2: memref<5120x768xf32, #tpu.memory_space<hbm>>, %arg3: memref<4096xi32, #tpu.memory_space<hbm>>, %arg4: memref<4096x768xf32, #tpu.memory_space<hbm>>, %arg5: memref<128xi32, #tpu.memory_space<vmem>>, %arg6: memref<128x768xf32, #tpu.memory_space<vmem>>, %arg7: memref<!tpu.dma_semaphore, #tpu.memory_space<semaphore_mem>>) attributes {dimension_semantics = [#tpu.dimension_semantics<core_parallel>, #tpu.dimension_semantics<subcore_parallel>], iteration_bounds = array<i64: 2, 16>, scalar_prefetch = 0 : i64, scratch_operands = 3 : i64, tpu.core_type = #tpu.core_type<sc_vector_subcore>, window_params = [{transform_indices = #map}, {transform_indices = #map1}, {transform_indices = #map}]} {
    %mul3A = arith.constant 2 : i32
    %mul3A_0 = arith.muli %arg1, %mul3A : i32
    %add3A = arith.addi %mul3A_0, %arg0 : i32
    %mul3A_1 = arith.constant 128 : i32
    %mul3A_2 = arith.muli %add3A, %mul3A_1 : i32
    "tpu.region"() ({
      %run_scoped3A = tpu.sem_alloc : memref<!tpu.dma_semaphore, #tpu.memory_space<semaphore_mem>>
      %dma_start3A_7 = tpu.memref_slice %arg3[%mul3A_2] : memref<4096xi32, #tpu.memory_space<hbm>> -> memref<128xi32, #tpu.memory_space<hbm>>
      %dma_start3A_8 = tpu.memref_slice %arg3[%mul3A_2] : memref<4096xi32, #tpu.memory_space<hbm>> -> memref<128xi32, #tpu.memory_space<hbm>>
      tpu.enqueue_dma source(%dma_start3A_8 : memref<128xi32, #tpu.memory_space<hbm>>) target(%arg5 : memref<128xi32, #tpu.memory_space<vmem>>) target_semaphore(%run_scoped3A : memref<!tpu.dma_semaphore, #tpu.memory_space<semaphore_mem>>)
      %dma_wait3A_9 = tpu.memref_slice %arg3[%mul3A_2] : memref<4096xi32, #tpu.memory_space<hbm>> -> memref<128xi32, #tpu.memory_space<hbm>>
      %dma_wait3A_10 = tpu.memref_slice %arg3[%mul3A_2] : memref<4096xi32, #tpu.memory_space<hbm>> -> memref<128xi32, #tpu.memory_space<hbm>>
      tpu.wait_dma2 semaphore(%run_scoped3A : memref<!tpu.dma_semaphore, #tpu.memory_space<semaphore_mem>>) src(%dma_wait3A_10 : memref<128xi32, #tpu.memory_space<hbm>>) dst(%arg5 : memref<128xi32, #tpu.memory_space<vmem>>)
      tpu.yield
    }) : () -> ()
    %dma_start3A = arith.constant 0 : i32
    %dma_start3A_3 = arith.constant 0 : i32
    %dma_start3A_4 = tpu.memref_slice %arg2[%dma_start3A, %dma_start3A_3] : memref<5120x768xf32, #tpu.memory_space<hbm>> -> memref<5120x768xf32, #tpu.memory_space<hbm>>
    tpu.enqueue_indirect_dma source(%dma_start3A_4 : memref<5120x768xf32, #tpu.memory_space<hbm>>) target(%arg6 : memref<128x768xf32, #tpu.memory_space<vmem>>) offsets(%arg5 : memref<128xi32, #tpu.memory_space<vmem>>) semaphore(%arg7 : memref<!tpu.dma_semaphore, #tpu.memory_space<semaphore_mem>>)
    %dma_wait3A = arith.constant 0 : i32
    %dma_wait3A_5 = arith.constant 0 : i32
    %dma_wait3A_6 = tpu.memref_slice %arg2[%dma_wait3A, %dma_wait3A_5] : memref<5120x768xf32, #tpu.memory_space<hbm>> -> memref<5120x768xf32, #tpu.memory_space<hbm>>
    tpu.wait_indirect_dma semaphore(%arg7 : memref<!tpu.dma_semaphore, #tpu.memory_space<semaphore_mem>>) src(%dma_wait3A_6 : memref<5120x768xf32, #tpu.memory_space<hbm>>) dst(%arg6 : memref<128x768xf32, #tpu.memory_space<vmem>>)
    "tpu.region"() ({
      %run_scoped3A = tpu.sem_alloc : memref<!tpu.dma_semaphore, #tpu.memory_space<semaphore_mem>>
      %dma_start3A_7 = arith.constant 0 : i32
      %dma_start3A_8 = tpu.memref_slice %arg4[%mul3A_2, %dma_start3A_7] : memref<4096x768xf32, #tpu.memory_space<hbm>> -> memref<128x768xf32, #tpu.memory_space<hbm>>
      %dma_start3A_9 = arith.constant 0 : i32
      %dma_start3A_10 = tpu.memref_slice %arg4[%mul3A_2, %dma_start3A_9] : memref<4096x768xf32, #tpu.memory_space<hbm>> -> memref<128x768xf32, #tpu.memory_space<hbm>>
      tpu.enqueue_dma source(%arg6 : memref<128x768xf32, #tpu.memory_space<vmem>>) target(%dma_start3A_10 : memref<128x768xf32, #tpu.memory_space<hbm>>) target_semaphore(%run_scoped3A : memref<!tpu.dma_semaphore, #tpu.memory_space<semaphore_mem>>)
      %dma_wait3A_11 = arith.constant 0 : i32
      %dma_wait3A_12 = tpu.memref_slice %arg4[%mul3A_2, %dma_wait3A_11] : memref<4096x768xf32, #tpu.memory_space<hbm>> -> memref<128x768xf32, #tpu.memory_space<hbm>>
      %dma_wait3A_13 = arith.constant 0 : i32
      %dma_wait3A_14 = tpu.memref_slice %arg4[%mul3A_2, %dma_wait3A_13] : memref<4096x768xf32, #tpu.memory_space<hbm>> -> memref<128x768xf32, #tpu.memory_space<hbm>>
      tpu.wait_dma2 semaphore(%run_scoped3A : memref<!tpu.dma_semaphore, #tpu.memory_space<semaphore_mem>>) src(%arg6 : memref<128x768xf32, #tpu.memory_space<vmem>>) dst(%dma_wait3A_14 : memref<128x768xf32, #tpu.memory_space<hbm>>)
      tpu.yield
    }) : () -> ()
    return
  }
}

#map = affine_map<(d0, d1) -> (0, 0)>
#map1 = affine_map<(d0, d1) -> (0)>
module attributes {stable_mosaic.version = 14 : i64} {
  func.func @_dispatch_body(%arg0: i32, %arg1: i32, %arg2: memref<4096x768xf32, #tpu.memory_space<hbm>>, %arg3: memref<4096xi32, #tpu.memory_space<hbm>>, %arg4: memref<5200x768xf32, #tpu.memory_space<hbm>>, %arg5: memref<128xi32, #tpu.memory_space<vmem>>, %arg6: memref<128x768xf32, #tpu.memory_space<vmem>>, %arg7: memref<!tpu.dma_semaphore, #tpu.memory_space<semaphore_mem>>, %arg8: memref<!tpu.dma_semaphore, #tpu.memory_space<semaphore_mem>>) attributes {dimension_semantics = [#tpu.dimension_semantics<core_parallel>, #tpu.dimension_semantics<subcore_parallel>], iteration_bounds = array<i64: 2, 16>, scalar_prefetch = 0 : i64, scratch_operands = 4 : i64, tpu.core_type = #tpu.core_type<sc_vector_subcore>, window_params = [{transform_indices = #map}, {transform_indices = #map1}, {transform_indices = #map}]} {
    %mul3A = arith.constant 2 : i32
    %mul3A_0 = arith.muli %arg1, %mul3A : i32
    %add3A = arith.addi %mul3A_0, %arg0 : i32
    %mul3A_1 = arith.constant 128 : i32
    %mul3A_2 = arith.muli %add3A, %mul3A_1 : i32
    "tpu.region"() ({
      %run_scoped3A = tpu.sem_alloc : memref<!tpu.dma_semaphore, #tpu.memory_space<semaphore_mem>>
      %dma_start3A_15 = tpu.memref_slice %arg3[%mul3A_2] : memref<4096xi32, #tpu.memory_space<hbm>> -> memref<128xi32, #tpu.memory_space<hbm>>
      %dma_start3A_16 = tpu.memref_slice %arg3[%mul3A_2] : memref<4096xi32, #tpu.memory_space<hbm>> -> memref<128xi32, #tpu.memory_space<hbm>>
      tpu.enqueue_dma source(%dma_start3A_16 : memref<128xi32, #tpu.memory_space<hbm>>) target(%arg5 : memref<128xi32, #tpu.memory_space<vmem>>) target_semaphore(%run_scoped3A : memref<!tpu.dma_semaphore, #tpu.memory_space<semaphore_mem>>)
      %dma_wait3A_17 = tpu.memref_slice %arg3[%mul3A_2] : memref<4096xi32, #tpu.memory_space<hbm>> -> memref<128xi32, #tpu.memory_space<hbm>>
      %dma_wait3A_18 = tpu.memref_slice %arg3[%mul3A_2] : memref<4096xi32, #tpu.memory_space<hbm>> -> memref<128xi32, #tpu.memory_space<hbm>>
      tpu.wait_dma2 semaphore(%run_scoped3A : memref<!tpu.dma_semaphore, #tpu.memory_space<semaphore_mem>>) src(%dma_wait3A_18 : memref<128xi32, #tpu.memory_space<hbm>>) dst(%arg5 : memref<128xi32, #tpu.memory_space<vmem>>)
      tpu.yield
    }) : () -> ()
    %dma_start3A = arith.constant 0 : i32
    %dma_start3A_3 = tpu.memref_slice %arg2[%mul3A_2, %dma_start3A] : memref<4096x768xf32, #tpu.memory_space<hbm>> -> memref<128x768xf32, #tpu.memory_space<hbm>>
    %dma_start3A_4 = arith.constant 0 : i32
    %dma_start3A_5 = tpu.memref_slice %arg2[%mul3A_2, %dma_start3A_4] : memref<4096x768xf32, #tpu.memory_space<hbm>> -> memref<128x768xf32, #tpu.memory_space<hbm>>
    tpu.enqueue_dma source(%dma_start3A_5 : memref<128x768xf32, #tpu.memory_space<hbm>>) target(%arg6 : memref<128x768xf32, #tpu.memory_space<vmem>>) target_semaphore(%arg7 : memref<!tpu.dma_semaphore, #tpu.memory_space<semaphore_mem>>)
    %dma_wait3A = arith.constant 0 : i32
    %dma_wait3A_6 = tpu.memref_slice %arg2[%mul3A_2, %dma_wait3A] : memref<4096x768xf32, #tpu.memory_space<hbm>> -> memref<128x768xf32, #tpu.memory_space<hbm>>
    %dma_wait3A_7 = arith.constant 0 : i32
    %dma_wait3A_8 = tpu.memref_slice %arg2[%mul3A_2, %dma_wait3A_7] : memref<4096x768xf32, #tpu.memory_space<hbm>> -> memref<128x768xf32, #tpu.memory_space<hbm>>
    tpu.wait_dma2 semaphore(%arg7 : memref<!tpu.dma_semaphore, #tpu.memory_space<semaphore_mem>>) src(%dma_wait3A_8 : memref<128x768xf32, #tpu.memory_space<hbm>>) dst(%arg6 : memref<128x768xf32, #tpu.memory_space<vmem>>)
    %dma_start3A_9 = arith.constant 0 : i32
    %dma_start3A_10 = arith.constant 0 : i32
    %dma_start3A_11 = tpu.memref_slice %arg4[%dma_start3A_9, %dma_start3A_10] : memref<5200x768xf32, #tpu.memory_space<hbm>> -> memref<5200x768xf32, #tpu.memory_space<hbm>>
    tpu.enqueue_indirect_dma source(%arg6 : memref<128x768xf32, #tpu.memory_space<vmem>>) target(%dma_start3A_11 : memref<5200x768xf32, #tpu.memory_space<hbm>>) offsets(%arg5 : memref<128xi32, #tpu.memory_space<vmem>>) semaphore(%arg8 : memref<!tpu.dma_semaphore, #tpu.memory_space<semaphore_mem>>)
    %dma_wait3A_12 = arith.constant 0 : i32
    %dma_wait3A_13 = arith.constant 0 : i32
    %dma_wait3A_14 = tpu.memref_slice %arg4[%dma_wait3A_12, %dma_wait3A_13] : memref<5200x768xf32, #tpu.memory_space<hbm>> -> memref<5200x768xf32, #tpu.memory_space<hbm>>
    tpu.wait_indirect_dma semaphore(%arg8 : memref<!tpu.dma_semaphore, #tpu.memory_space<semaphore_mem>>) src(%arg6 : memref<128x768xf32, #tpu.memory_space<vmem>>) dst(%dma_wait3A_14 : memref<5200x768xf32, #tpu.memory_space<hbm>>)
    return
  }
}

#map = affine_map<(d0, d1) -> (0, 0)>
#map1 = affine_map<(d0, d1) -> (0)>
module attributes {stable_mosaic.version = 14 : i64} {
  func.func @_dispatch_body(%arg0: i32, %arg1: i32, %arg2: memref<4096x768xf32, #tpu.memory_space<hbm>>, %arg3: memref<4096xi32, #tpu.memory_space<hbm>>, %arg4: memref<5200x768xf32, #tpu.memory_space<hbm>>, %arg5: memref<128xi32, #tpu.memory_space<vmem>>, %arg6: memref<128x768xf32, #tpu.memory_space<vmem>>, %arg7: memref<!tpu.dma_semaphore, #tpu.memory_space<semaphore_mem>>, %arg8: memref<!tpu.dma_semaphore, #tpu.memory_space<semaphore_mem>>) attributes {dimension_semantics = [#tpu.dimension_semantics<core_parallel>, #tpu.dimension_semantics<subcore_parallel>], iteration_bounds = array<i64: 2, 16>, scalar_prefetch = 0 : i64, scratch_operands = 4 : i64, tpu.core_type = #tpu.core_type<sc_vector_subcore>, window_params = [{transform_indices = #map}, {transform_indices = #map1}, {transform_indices = #map}]} {
    %mul3A = arith.constant 2 : i32
    %mul3A_0 = arith.muli %arg1, %mul3A : i32
    %add3A = arith.addi %mul3A_0, %arg0 : i32
    %mul3A_1 = arith.constant 128 : i32
    %mul3A_2 = arith.muli %add3A, %mul3A_1 : i32
    "tpu.region"() ({
      %run_scoped3A = tpu.sem_alloc : memref<!tpu.dma_semaphore, #tpu.memory_space<semaphore_mem>>
      %dma_start3A_15 = tpu.memref_slice %arg3[%mul3A_2] : memref<4096xi32, #tpu.memory_space<hbm>> -> memref<128xi32, #tpu.memory_space<hbm>>
      %dma_start3A_16 = tpu.memref_slice %arg3[%mul3A_2] : memref<4096xi32, #tpu.memory_space<hbm>> -> memref<128xi32, #tpu.memory_space<hbm>>
      tpu.enqueue_dma source(%dma_start3A_16 : memref<128xi32, #tpu.memory_space<hbm>>) target(%arg5 : memref<128xi32, #tpu.memory_space<vmem>>) target_semaphore(%run_scoped3A : memref<!tpu.dma_semaphore, #tpu.memory_space<semaphore_mem>>)
      %dma_wait3A_17 = tpu.memref_slice %arg3[%mul3A_2] : memref<4096xi32, #tpu.memory_space<hbm>> -> memref<128xi32, #tpu.memory_space<hbm>>
      %dma_wait3A_18 = tpu.memref_slice %arg3[%mul3A_2] : memref<4096xi32, #tpu.memory_space<hbm>> -> memref<128xi32, #tpu.memory_space<hbm>>
      tpu.wait_dma2 semaphore(%run_scoped3A : memref<!tpu.dma_semaphore, #tpu.memory_space<semaphore_mem>>) src(%dma_wait3A_18 : memref<128xi32, #tpu.memory_space<hbm>>) dst(%arg5 : memref<128xi32, #tpu.memory_space<vmem>>)
      tpu.yield
    }) : () -> ()
    %dma_start3A = arith.constant 0 : i32
    %dma_start3A_3 = tpu.memref_slice %arg2[%mul3A_2, %dma_start3A] : memref<4096x768xf32, #tpu.memory_space<hbm>> -> memref<128x768xf32, #tpu.memory_space<hbm>>
    %dma_start3A_4 = arith.constant 0 : i32
    %dma_start3A_5 = tpu.memref_slice %arg2[%mul3A_2, %dma_start3A_4] : memref<4096x768xf32, #tpu.memory_space<hbm>> -> memref<128x768xf32, #tpu.memory_space<hbm>>
    tpu.enqueue_dma source(%dma_start3A_5 : memref<128x768xf32, #tpu.memory_space<hbm>>) target(%arg6 : memref<128x768xf32, #tpu.memory_space<vmem>>) target_semaphore(%arg7 : memref<!tpu.dma_semaphore, #tpu.memory_space<semaphore_mem>>)
    %dma_wait3A = arith.constant 0 : i32
    %dma_wait3A_6 = tpu.memref_slice %arg2[%mul3A_2, %dma_wait3A] : memref<4096x768xf32, #tpu.memory_space<hbm>> -> memref<128x768xf32, #tpu.memory_space<hbm>>
    %dma_wait3A_7 = arith.constant 0 : i32
    %dma_wait3A_8 = tpu.memref_slice %arg2[%mul3A_2, %dma_wait3A_7] : memref<4096x768xf32, #tpu.memory_space<hbm>> -> memref<128x768xf32, #tpu.memory_space<hbm>>
    tpu.wait_dma2 semaphore(%arg7 : memref<!tpu.dma_semaphore, #tpu.memory_space<semaphore_mem>>) src(%dma_wait3A_8 : memref<128x768xf32, #tpu.memory_space<hbm>>) dst(%arg6 : memref<128x768xf32, #tpu.memory_space<vmem>>)
    %dma_start3A_9 = arith.constant 0 : i32
    %dma_start3A_10 = arith.constant 0 : i32
    %dma_start3A_11 = tpu.memref_slice %arg4[%dma_start3A_9, %dma_start3A_10] : memref<5200x768xf32, #tpu.memory_space<hbm>> -> memref<5200x768xf32, #tpu.memory_space<hbm>>
    tpu.enqueue_indirect_dma source(%arg6 : memref<128x768xf32, #tpu.memory_space<vmem>>) target(%dma_start3A_11 : memref<5200x768xf32, #tpu.memory_space<hbm>>) offsets(%arg5 : memref<128xi32, #tpu.memory_space<vmem>>) semaphore(%arg8 : memref<!tpu.dma_semaphore, #tpu.memory_space<semaphore_mem>>)
    %dma_wait3A_12 = arith.constant 0 : i32
    %dma_wait3A_13 = arith.constant 0 : i32
    %dma_wait3A_14 = tpu.memref_slice %arg4[%dma_wait3A_12, %dma_wait3A_13] : memref<5200x768xf32, #tpu.memory_space<hbm>> -> memref<5200x768xf32, #tpu.memory_space<hbm>>
    tpu.wait_indirect_dma semaphore(%arg8 : memref<!tpu.dma_semaphore, #tpu.memory_space<semaphore_mem>>) src(%arg6 : memref<128x768xf32, #tpu.memory_space<vmem>>) dst(%dma_wait3A_14 : memref<5200x768xf32, #tpu.memory_space<hbm>>)
    return
  }
}

#map = affine_map<(d0, d1) -> (0, 0)>
#map1 = affine_map<(d0, d1) -> (0)>
module attributes {stable_mosaic.version = 14 : i64} {
  func.func @_combine_body(%arg0: i32, %arg1: i32, %arg2: memref<5120x768xf32, #tpu.memory_space<hbm>>, %arg3: memref<4096xi32, #tpu.memory_space<hbm>>, %arg4: memref<4096x768xf32, #tpu.memory_space<hbm>>, %arg5: memref<128xi32, #tpu.memory_space<vmem>>, %arg6: memref<128x768xf32, #tpu.memory_space<vmem>>, %arg7: memref<!tpu.dma_semaphore, #tpu.memory_space<semaphore_mem>>) attributes {dimension_semantics = [#tpu.dimension_semantics<core_parallel>, #tpu.dimension_semantics<subcore_parallel>], iteration_bounds = array<i64: 2, 16>, scalar_prefetch = 0 : i64, scratch_operands = 3 : i64, tpu.core_type = #tpu.core_type<sc_vector_subcore>, window_params = [{transform_indices = #map}, {transform_indices = #map1}, {transform_indices = #map}]} {
    %mul3A = arith.constant 2 : i32
    %mul3A_0 = arith.muli %arg1, %mul3A : i32
    %add3A = arith.addi %mul3A_0, %arg0 : i32
    %mul3A_1 = arith.constant 128 : i32
    %mul3A_2 = arith.muli %add3A, %mul3A_1 : i32
    "tpu.region"() ({
      %run_scoped3A = tpu.sem_alloc : memref<!tpu.dma_semaphore, #tpu.memory_space<semaphore_mem>>
      %dma_start3A_7 = tpu.memref_slice %arg3[%mul3A_2] : memref<4096xi32, #tpu.memory_space<hbm>> -> memref<128xi32, #tpu.memory_space<hbm>>
      %dma_start3A_8 = tpu.memref_slice %arg3[%mul3A_2] : memref<4096xi32, #tpu.memory_space<hbm>> -> memref<128xi32, #tpu.memory_space<hbm>>
      tpu.enqueue_dma source(%dma_start3A_8 : memref<128xi32, #tpu.memory_space<hbm>>) target(%arg5 : memref<128xi32, #tpu.memory_space<vmem>>) target_semaphore(%run_scoped3A : memref<!tpu.dma_semaphore, #tpu.memory_space<semaphore_mem>>)
      %dma_wait3A_9 = tpu.memref_slice %arg3[%mul3A_2] : memref<4096xi32, #tpu.memory_space<hbm>> -> memref<128xi32, #tpu.memory_space<hbm>>
      %dma_wait3A_10 = tpu.memref_slice %arg3[%mul3A_2] : memref<4096xi32, #tpu.memory_space<hbm>> -> memref<128xi32, #tpu.memory_space<hbm>>
      tpu.wait_dma2 semaphore(%run_scoped3A : memref<!tpu.dma_semaphore, #tpu.memory_space<semaphore_mem>>) src(%dma_wait3A_10 : memref<128xi32, #tpu.memory_space<hbm>>) dst(%arg5 : memref<128xi32, #tpu.memory_space<vmem>>)
      tpu.yield
    }) : () -> ()
    %dma_start3A = arith.constant 0 : i32
    %dma_start3A_3 = arith.constant 0 : i32
    %dma_start3A_4 = tpu.memref_slice %arg2[%dma_start3A, %dma_start3A_3] : memref<5120x768xf32, #tpu.memory_space<hbm>> -> memref<5120x768xf32, #tpu.memory_space<hbm>>
    tpu.enqueue_indirect_dma source(%dma_start3A_4 : memref<5120x768xf32, #tpu.memory_space<hbm>>) target(%arg6 : memref<128x768xf32, #tpu.memory_space<vmem>>) offsets(%arg5 : memref<128xi32, #tpu.memory_space<vmem>>) semaphore(%arg7 : memref<!tpu.dma_semaphore, #tpu.memory_space<semaphore_mem>>)
    %dma_wait3A = arith.constant 0 : i32
    %dma_wait3A_5 = arith.constant 0 : i32
    %dma_wait3A_6 = tpu.memref_slice %arg2[%dma_wait3A, %dma_wait3A_5] : memref<5120x768xf32, #tpu.memory_space<hbm>> -> memref<5120x768xf32, #tpu.memory_space<hbm>>
    tpu.wait_indirect_dma semaphore(%arg7 : memref<!tpu.dma_semaphore, #tpu.memory_space<semaphore_mem>>) src(%dma_wait3A_6 : memref<5120x768xf32, #tpu.memory_space<hbm>>) dst(%arg6 : memref<128x768xf32, #tpu.memory_space<vmem>>)
    "tpu.region"() ({
      %run_scoped3A = tpu.sem_alloc : memref<!tpu.dma_semaphore, #tpu.memory_space<semaphore_mem>>
      %dma_start3A_7 = arith.constant 0 : i32
      %dma_start3A_8 = tpu.memref_slice %arg4[%mul3A_2, %dma_start3A_7] : memref<4096x768xf32, #tpu.memory_space<hbm>> -> memref<128x768xf32, #tpu.memory_space<hbm>>
      %dma_start3A_9 = arith.constant 0 : i32
      %dma_start3A_10 = tpu.memref_slice %arg4[%mul3A_2, %dma_start3A_9] : memref<4096x768xf32, #tpu.memory_space<hbm>> -> memref<128x768xf32, #tpu.memory_space<hbm>>
      tpu.enqueue_dma source(%arg6 : memref<128x768xf32, #tpu.memory_space<vmem>>) target(%dma_start3A_10 : memref<128x768xf32, #tpu.memory_space<hbm>>) target_semaphore(%run_scoped3A : memref<!tpu.dma_semaphore, #tpu.memory_space<semaphore_mem>>)
      %dma_wait3A_11 = arith.constant 0 : i32
      %dma_wait3A_12 = tpu.memref_slice %arg4[%mul3A_2, %dma_wait3A_11] : memref<4096x768xf32, #tpu.memory_space<hbm>> -> memref<128x768xf32, #tpu.memory_space<hbm>>
      %dma_wait3A_13 = arith.constant 0 : i32
      %dma_wait3A_14 = tpu.memref_slice %arg4[%mul3A_2, %dma_wait3A_13] : memref<4096x768xf32, #tpu.memory_space<hbm>> -> memref<128x768xf32, #tpu.memory_space<hbm>>
      tpu.wait_dma2 semaphore(%run_scoped3A : memref<!tpu.dma_semaphore, #tpu.memory_space<semaphore_mem>>) src(%arg6 : memref<128x768xf32, #tpu.memory_space<vmem>>) dst(%dma_wait3A_14 : memref<128x768xf32, #tpu.memory_space<hbm>>)
      tpu.yield
    }) : () -> ()
    return
  }
}

module attributes {stable_mosaic.version = 14 : i64} {
  func.func @_route2_body(%arg0: i32, %arg1: memref<512x768xf32, #tpu.memory_space<vmem>>, %arg2: memref<768x768xf32, #tpu.memory_space<vmem>>, %arg3: memref<1x768xf32, #tpu.memory_space<vmem>>, %arg4: memref<768x64xf32, #tpu.memory_space<vmem>>, %arg5: memref<512x768xf32, #tpu.memory_space<vmem>>, %arg6: memref<512x1xi32, #tpu.memory_space<vmem>>, %arg7: memref<512x1xi32, #tpu.memory_space<vmem>>, %arg8: memref<512x1xf32, #tpu.memory_space<vmem>>, %arg9: memref<1x64xf32, #tpu.memory_space<vmem>>) attributes {dimension_semantics = [#tpu.dimension_semantics<arbitrary>], iteration_bounds = array<i64: 8>, scalar_prefetch = 0 : i64, scratch_operands = 1 : i64, tpu.core_type = #tpu.core_type<tc>, window_params = [{transform_indices = @transform_0, window_bounds = array<i64: 512, 768>}, {pipeline_mode = #tpu.pipeline_mode<synchronous>, transform_indices = @transform_1, window_bounds = array<i64: 768, 768>}, {pipeline_mode = #tpu.pipeline_mode<synchronous>, transform_indices = @transform_2, window_bounds = array<i64: 1, 768>}, {pipeline_mode = #tpu.pipeline_mode<synchronous>, transform_indices = @transform_3, window_bounds = array<i64: 768, 64>}, {transform_indices = @transform_4, window_bounds = array<i64: 512, 768>}, {transform_indices = @transform_5, window_bounds = array<i64: 512, 1>}, {transform_indices = @transform_6, window_bounds = array<i64: 512, 1>}, {transform_indices = @transform_7, window_bounds = array<i64: 512, 1>}]} {
    %get3A = arith.constant 0 : index
    %get3A_0 = arith.constant 0 : index
    %get3A_1 = vector.load %arg1[%get3A, %get3A_0] : memref<512x768xf32, #tpu.memory_space<vmem>>, vector<512x768xf32>
    %get3A_2 = arith.constant 0 : index
    %get3A_3 = arith.constant 0 : index
    %get3A_4 = vector.load %arg2[%get3A_2, %get3A_3] : memref<768x768xf32, #tpu.memory_space<vmem>>, vector<768x768xf32>
    %dot_general3A = arith.constant dense<0.000000e+00> : vector<512x768xf32>
    %dot_general3A_5 = tpu.matmul %get3A_1, %get3A_4, %dot_general3A {dimension_numbers = #tpu.dot_dimension_numbers<[1], [0], [0], [1], [0, 0, 1, 1], [], []>, transpose_lhs_hint = false} : vector<512x768xf32>, vector<768x768xf32>, vector<512x768xf32> -> vector<512x768xf32>
    %get3A_6 = arith.constant 0 : index
    %get3A_7 = arith.constant 0 : index
    %get3A_8 = vector.load %arg3[%get3A_6, %get3A_7] : memref<1x768xf32, #tpu.memory_space<vmem>>, vector<1x768xf32>
    %add3A = vector.broadcast %get3A_8 : vector<1x768xf32> to vector<512x768xf32>
    %add3A_9 = arith.addf %dot_general3A_5, %add3A : vector<512x768xf32>
    %swap3A = arith.constant 0 : index
    %swap3A_10 = arith.constant 0 : index
    %swap3A_11 = vector.load %arg5[%swap3A, %swap3A_10] : memref<512x768xf32, #tpu.memory_space<vmem>>, vector<512x768xf32>
    tpu.vector_store %arg5[%swap3A, %swap3A_10], %add3A_9 {strides = array<i32>} : memref<512x768xf32, #tpu.memory_space<vmem>>, vector<512x768xf32>,
    %get3A_12 = arith.constant 0 : index
    %get3A_13 = arith.constant 0 : index
    %get3A_14 = vector.load %arg4[%get3A_12, %get3A_13] : memref<768x64xf32, #tpu.memory_space<vmem>>, vector<768x64xf32>
    %dot_general3A_15 = arith.constant dense<0.000000e+00> : vector<512x64xf32>
    %dot_general3A_16 = tpu.matmul %add3A_9, %get3A_14, %dot_general3A_15 {dimension_numbers = #tpu.dot_dimension_numbers<[1], [0], [0], [1], [0, 0, 1, 1], [], []>, transpose_lhs_hint = false} : vector<512x768xf32>, vector<768x64xf32>, vector<512x64xf32> -> vector<512x64xf32>
    %reduce_max3A = arith.constant dense<0xFF800000> : vector<512xf32>
    %reduce_max3A_17 = vector.multi_reduction <maximumf>, %dot_general3A_16, %reduce_max3A [1] : vector<512x64xf32> to vector<512xf32>
    %broadcast_in_dim3A = vector.shape_cast %reduce_max3A_17 : vector<512xf32> to vector<512x1xf32>
    %sub3A = vector.broadcast %broadcast_in_dim3A : vector<512x1xf32> to vector<512x64xf32>
    %sub3A_18 = arith.subf %dot_general3A_16, %sub3A : vector<512x64xf32>
    %exp3A = math.exp %sub3A_18 : vector<512x64xf32>
    %reduce_sum3A = arith.constant dense<0.000000e+00> : vector<512xf32>
    %reduce_sum3A_19 = vector.multi_reduction <add>, %exp3A, %reduce_sum3A [1] : vector<512x64xf32> to vector<512xf32>
    %broadcast_in_dim3A_20 = vector.shape_cast %reduce_sum3A_19 : vector<512xf32> to vector<512x1xf32>
    %div3A = arith.constant 1.000000e+00 : f32
    %div3A_21 = vector.broadcast %div3A : f32 to vector<512x1xf32>
    %div3A_22 = arith.divf %div3A_21, %broadcast_in_dim3A_20 : vector<512x1xf32>
    %iota3A = tpu.iota {dimensions = array<i32: 1>} : vector<512x64xi32>
    %eq3A = vector.broadcast %broadcast_in_dim3A : vector<512x1xf32> to vector<512x64xf32>
    %eq3A_23 = arith.cmpf oeq, %dot_general3A_16, %eq3A : vector<512x64xf32>
    %jit3A = arith.constant 64 : i32
    %broadcast_in_dim3A_24 = vector.broadcast %jit3A : i32 to vector<512x64xi32>
    %select_n3A = arith.select %eq3A_23, %iota3A, %broadcast_in_dim3A_24 : vector<512x64xi1>, vector<512x64xi32>
    %reduce_min3A = arith.constant dense<2147483647> : vector<512xi32>
    %reduce_min3A_25 = vector.multi_reduction <minsi>, %select_n3A, %reduce_min3A [1] : vector<512x64xi32> to vector<512xi32>
    %broadcast_in_dim3A_26 = vector.shape_cast %reduce_min3A_25 : vector<512xi32> to vector<512x1xi32>
    %eq3A_27 = vector.broadcast %broadcast_in_dim3A_26 : vector<512x1xi32> to vector<512x64xi32>
    %eq3A_28 = arith.cmpi eq, %iota3A, %eq3A_27 : vector<512x64xi32>
    %convert_element_type3A = arith.extui %eq3A_28 : vector<512x64xi1> to vector<512x64xi32>
    %convert_element_type3A_29 = arith.sitofp %convert_element_type3A : vector<512x64xi32> to vector<512x64xf32>
    %iota3A_30 = tpu.iota {dimensions = array<i32: 0>} : vector<512x512xi32>
    %iota3A_31 = tpu.iota {dimensions = array<i32: 1>} : vector<512x512xi32>
    %ge3A = arith.cmpi sge, %iota3A_30, %iota3A_31 : vector<512x512xi32>
    %convert_element_type3A_32 = arith.extui %ge3A : vector<512x512xi1> to vector<512x512xi32>
    %convert_element_type3A_33 = arith.sitofp %convert_element_type3A_32 : vector<512x512xi32> to vector<512x512xf32>
    %eq3A_34 = arith.constant 0 : i32
    %eq3A_35 = arith.cmpi eq, %arg0, %eq3A_34 : i32
    %convert_element_type3A_36 = arith.extui %eq3A_35 : i1 to i32
    %cond3A = arith.constant 0 : i32
    %cond3A_37 = arith.cmpi ne, %convert_element_type3A_36, %cond3A : i32
    scf.if %cond3A_37 {
      %broadcast_in_dim3A_90 = arith.constant 0.000000e+00 : f32
      %broadcast_in_dim3A_91 = vector.broadcast %broadcast_in_dim3A_90 : f32 to vector<1x64xf32>
      %swap3A_92 = arith.constant 0 : index
      %swap3A_93 = arith.constant 0 : index
      %swap3A_94 = vector.load %arg9[%swap3A_92, %swap3A_93] : memref<1x64xf32, #tpu.memory_space<vmem>>, vector<1x64xf32>
      tpu.vector_store %arg9[%swap3A_92, %swap3A_93], %broadcast_in_dim3A_91 {strides = array<i32>} : memref<1x64xf32, #tpu.memory_space<vmem>>, vector<1x64xf32>,
    } else {
    }
    %dot_general3A_38 = arith.constant dense<0.000000e+00> : vector<512x64xf32>
    %dot_general3A_39 = tpu.matmul %convert_element_type3A_33, %convert_element_type3A_29, %dot_general3A_38 {dimension_numbers = #tpu.dot_dimension_numbers<[1], [0], [0], [1], [0, 0, 1, 1], [], []>, transpose_lhs_hint = false} : vector<512x512xf32>, vector<512x64xf32>, vector<512x64xf32> -> vector<512x64xf32>
    %get3A_40 = arith.constant 0 : index
    %get3A_41 = arith.constant 0 : index
    %get3A_42 = vector.load %arg9[%get3A_40, %get3A_41] : memref<1x64xf32, #tpu.memory_space<vmem>>, vector<1x64xf32>
    %add3A_43 = vector.broadcast %get3A_42 : vector<1x64xf32> to vector<512x64xf32>
    %add3A_44 = arith.addf %dot_general3A_39, %add3A_43 : vector<512x64xf32>
    %mul3A = arith.mulf %convert_element_type3A_29, %add3A_44 : vector<512x64xf32>
    %reduce_sum3A_45 = arith.constant dense<0.000000e+00> : vector<512xf32>
    %reduce_sum3A_46 = vector.multi_reduction <add>, %mul3A, %reduce_sum3A_45 [1] : vector<512x64xf32> to vector<512xf32>
    %broadcast_in_dim3A_47 = vector.shape_cast %reduce_sum3A_46 : vector<512xf32> to vector<512x1xf32>
    %sub3A_48 = arith.constant 1.000000e+00 : f32
    %sub3A_49 = vector.broadcast %sub3A_48 : f32 to vector<512x1xf32>
    %sub3A_50 = arith.subf %broadcast_in_dim3A_47, %sub3A_49 : vector<512x1xf32>
    %get3A_51 = arith.constant 0 : index
    %get3A_52 = arith.constant 0 : index
    %get3A_53 = vector.load %arg9[%get3A_51, %get3A_52] : memref<1x64xf32, #tpu.memory_space<vmem>>, vector<1x64xf32>
    %reduce_sum3A_54 = arith.constant dense<0.000000e+00> : vector<64xf32>
    %reduce_sum3A_55 = vector.multi_reduction <add>, %convert_element_type3A_29, %reduce_sum3A_54 [0] : vector<512x64xf32> to vector<64xf32>
    %broadcast_in_dim3A_56 = vector.shape_cast %reduce_sum3A_55 : vector<64xf32> to vector<1x64xf32>
    %add3A_57 = arith.addf %get3A_53, %broadcast_in_dim3A_56 : vector<1x64xf32>
    %swap3A_58 = arith.constant 0 : index
    %swap3A_59 = arith.constant 0 : index
    %swap3A_60 = vector.load %arg9[%swap3A_58, %swap3A_59] : memref<1x64xf32, #tpu.memory_space<vmem>>, vector<1x64xf32>
    tpu.vector_store %arg9[%swap3A_58, %swap3A_59], %add3A_57 {strides = array<i32>} : memref<1x64xf32, #tpu.memory_space<vmem>>, vector<1x64xf32>,
    %lt3A = arith.constant 8.000000e+01 : f32
    %lt3A_61 = vector.broadcast %lt3A : f32 to vector<512x1xf32>
    %lt3A_62 = arith.cmpf olt, %sub3A_50, %lt3A_61 : vector<512x1xf32>
    %mul3A_63 = arith.constant 80 : i32
    %mul3A_64 = vector.broadcast %mul3A_63 : i32 to vector<512x1xi32>
    %mul3A_65 = arith.muli %broadcast_in_dim3A_26, %mul3A_64 : vector<512x1xi32>
    %convert_element_type3A_66 = arith.fptosi %sub3A_50 : vector<512x1xf32> to vector<512x1xi32>
    %add3A_67 = arith.addi %mul3A_65, %convert_element_type3A_66 : vector<512x1xi32>
    %iota3A_68 = tpu.iota {dimensions = array<i32: 0>} : vector<512x1xi32>
    %and3A = arith.constant 15 : i32
    %and3A_69 = vector.broadcast %and3A : i32 to vector<512x1xi32>
    %and3A_70 = arith.andi %iota3A_68, %and3A_69 : vector<512x1xi32>
    %add3A_71 = arith.constant 5120 : i32
    %add3A_72 = vector.broadcast %add3A_71 : i32 to vector<512x1xi32>
    %add3A_73 = arith.addi %add3A_72, %and3A_70 : vector<512x1xi32>
    %select_n3A_74 = arith.select %lt3A_62, %add3A_67, %add3A_73 : vector<512x1xi1>, vector<512x1xi32>
    %swap3A_75 = arith.constant 0 : index
    %swap3A_76 = arith.constant 0 : index
    %swap3A_77 = vector.load %arg6[%swap3A_75, %swap3A_76] : memref<512x1xi32, #tpu.memory_space<vmem>>, vector<512x1xi32>
    tpu.vector_store %arg6[%swap3A_75, %swap3A_76], %select_n3A_74 {strides = array<i32>} : memref<512x1xi32, #tpu.memory_space<vmem>>, vector<512x1xi32>,
    %jit3A_78 = arith.constant 0 : i32
    %broadcast_in_dim3A_79 = vector.broadcast %jit3A_78 : i32 to vector<512x1xi32>
    %select_n3A_80 = arith.select %lt3A_62, %add3A_67, %broadcast_in_dim3A_79 : vector<512x1xi1>, vector<512x1xi32>
    %swap3A_81 = arith.constant 0 : index
    %swap3A_82 = arith.constant 0 : index
    %swap3A_83 = vector.load %arg7[%swap3A_81, %swap3A_82] : memref<512x1xi32, #tpu.memory_space<vmem>>, vector<512x1xi32>
    tpu.vector_store %arg7[%swap3A_81, %swap3A_82], %select_n3A_80 {strides = array<i32>} : memref<512x1xi32, #tpu.memory_space<vmem>>, vector<512x1xi32>,
    %jit3A_84 = arith.constant 0.000000e+00 : f32
    %broadcast_in_dim3A_85 = vector.broadcast %jit3A_84 : f32 to vector<512x1xf32>
    %select_n3A_86 = arith.select %lt3A_62, %div3A_22, %broadcast_in_dim3A_85 : vector<512x1xi1>, vector<512x1xf32>
    %swap3A_87 = arith.constant 0 : index
    %swap3A_88 = arith.constant 0 : index
    %swap3A_89 = vector.load %arg8[%swap3A_87, %swap3A_88] : memref<512x1xf32, #tpu.memory_space<vmem>>, vector<512x1xf32>
    tpu.vector_store %arg8[%swap3A_87, %swap3A_88], %select_n3A_86 {strides = array<i32>} : memref<512x1xf32, #tpu.memory_space<vmem>>, vector<512x1xf32>,
    return
  }
  func.func @transform_0(%arg0: i32) -> (i32, i32) {
    %c0_i32 = arith.constant 0 : i32
    %c0_i32_0 = arith.constant 0 : i32
    return %arg0, %c0_i32 : i32, i32
  }
  func.func @transform_1(%arg0: i32) -> (i32, i32) {
    %c0_i32 = arith.constant 0 : i32
    %c0_i32_0 = arith.constant 0 : i32
    %c0_i32_1 = arith.constant 0 : i32
    return %c0_i32, %c0_i32_0 : i32, i32
  }
  func.func @transform_2(%arg0: i32) -> (i32, i32) {
    %c0_i32 = arith.constant 0 : i32
    %c0_i32_0 = arith.constant 0 : i32
    %c0_i32_1 = arith.constant 0 : i32
    return %c0_i32, %c0_i32_0 : i32, i32
  }
  func.func @transform_3(%arg0: i32) -> (i32, i32) {
    %c0_i32 = arith.constant 0 : i32
    %c0_i32_0 = arith.constant 0 : i32
    %c0_i32_1 = arith.constant 0 : i32
    return %c0_i32, %c0_i32_0 : i32, i32
  }
  func.func @transform_4(%arg0: i32) -> (i32, i32) {
    %c0_i32 = arith.constant 0 : i32
    %c0_i32_0 = arith.constant 0 : i32
    return %arg0, %c0_i32 : i32, i32
  }
  func.func @transform_5(%arg0: i32) -> (i32, i32) {
    %c0_i32 = arith.constant 0 : i32
    %c0_i32_0 = arith.constant 0 : i32
    return %arg0, %c0_i32 : i32, i32
  }
  func.func @transform_6(%arg0: i32) -> (i32, i32) {
    %c0_i32 = arith.constant 0 : i32
    %c0_i32_0 = arith.constant 0 : i32
    return %arg0, %c0_i32 : i32, i32
  }
  func.func @transform_7(%arg0: i32) -> (i32, i32) {
    %c0_i32 = arith.constant 0 : i32
    %c0_i32_0 = arith.constant 0 : i32
    return %arg0, %c0_i32 : i32, i32
  }
}

module attributes {stable_mosaic.version = 14 : i64} {
  func.func @_expert_body(%arg0: i32, %arg1: memref<1x80x768xf32, #tpu.memory_space<vmem>>, %arg2: memref<1x768x768xf32, #tpu.memory_space<vmem>>, %arg3: memref<1x1x768xf32, #tpu.memory_space<vmem>>, %arg4: memref<1x80x768xf32, #tpu.memory_space<vmem>>) attributes {dimension_semantics = [#tpu.dimension_semantics<arbitrary>], iteration_bounds = array<i64: 64>, scalar_prefetch = 0 : i64, scratch_operands = 0 : i64, tpu.core_type = #tpu.core_type<tc>, window_params = [{transform_indices = @transform_0, window_bounds = array<i64: 1, 80, 768>}, {transform_indices = @transform_1, window_bounds = array<i64: 1, 768, 768>}, {transform_indices = @transform_2, window_bounds = array<i64: 1, 1, 768>}, {transform_indices = @transform_3, window_bounds = array<i64: 1, 80, 768>}]} {
    %get3A = arith.constant 0 : index
    %get3A_0 = arith.constant 0 : index
    %get3A_1 = arith.constant 0 : index
    %get3A_2 = vector.load %arg1[%get3A, %get3A_0, %get3A_1] : memref<1x80x768xf32, #tpu.memory_space<vmem>>, vector<1x80x768xf32>
    %get3A_3 = vector.shape_cast %get3A_2 : vector<1x80x768xf32> to vector<80x768xf32>
    %convert_element_type3A = arith.truncf %get3A_3 : vector<80x768xf32> to vector<80x768xbf16>
    %get3A_4 = arith.constant 0 : index
    %get3A_5 = arith.constant 0 : index
    %get3A_6 = arith.constant 0 : index
    %get3A_7 = vector.load %arg2[%get3A_4, %get3A_5, %get3A_6] : memref<1x768x768xf32, #tpu.memory_space<vmem>>, vector<1x768x768xf32>
    %get3A_8 = vector.shape_cast %get3A_7 : vector<1x768x768xf32> to vector<768x768xf32>
    %convert_element_type3A_9 = arith.truncf %get3A_8 : vector<768x768xf32> to vector<768x768xbf16>
    %dot_general3A = arith.constant dense<0.000000e+00> : vector<80x768xf32>
    %dot_general3A_10 = tpu.matmul %convert_element_type3A, %convert_element_type3A_9, %dot_general3A {dimension_numbers = #tpu.dot_dimension_numbers<[1], [0], [0], [1], [0, 0, 1, 1], [], []>, transpose_lhs_hint = false} : vector<80x768xbf16>, vector<768x768xbf16>, vector<80x768xf32> -> vector<80x768xf32>
    %get3A_11 = arith.constant 0 : index
    %get3A_12 = arith.constant 0 : index
    %get3A_13 = arith.constant 0 : index
    %get3A_14 = vector.load %arg3[%get3A_11, %get3A_12, %get3A_13] : memref<1x1x768xf32, #tpu.memory_space<vmem>>, vector<1x1x768xf32>
    %get3A_15 = vector.shape_cast %get3A_14 : vector<1x1x768xf32> to vector<1x768xf32>
    %add3A = vector.broadcast %get3A_15 : vector<1x768xf32> to vector<80x768xf32>
    %add3A_16 = arith.addf %dot_general3A_10, %add3A : vector<80x768xf32>
    %swap3A = arith.constant 0 : index
    %swap3A_17 = arith.constant 0 : index
    %swap3A_18 = arith.constant 0 : index
    %swap3A_19 = vector.load %arg4[%swap3A, %swap3A_17, %swap3A_18] : memref<1x80x768xf32, #tpu.memory_space<vmem>>, vector<1x80x768xf32>
    %swap3A_20 = vector.shape_cast %swap3A_19 : vector<1x80x768xf32> to vector<80x768xf32>
    %swap3A_21 = vector.shape_cast %add3A_16 : vector<80x768xf32> to vector<1x80x768xf32>
    tpu.vector_store %arg4[%swap3A, %swap3A_17, %swap3A_18], %swap3A_21 {strides = array<i32>} : memref<1x80x768xf32, #tpu.memory_space<vmem>>, vector<1x80x768xf32>,
    return
  }
  func.func @transform_0(%arg0: i32) -> (i32, i32, i32) {
    %c0_i32 = arith.constant 0 : i32
    %c0_i32_0 = arith.constant 0 : i32
    %c0_i32_1 = arith.constant 0 : i32
    return %arg0, %c0_i32, %c0_i32_0 : i32, i32, i32
  }
  func.func @transform_1(%arg0: i32) -> (i32, i32, i32) {
    %c0_i32 = arith.constant 0 : i32
    %c0_i32_0 = arith.constant 0 : i32
    %c0_i32_1 = arith.constant 0 : i32
    return %arg0, %c0_i32, %c0_i32_0 : i32, i32, i32
  }
  func.func @transform_2(%arg0: i32) -> (i32, i32, i32) {
    %c0_i32 = arith.constant 0 : i32
    %c0_i32_0 = arith.constant 0 : i32
    %c0_i32_1 = arith.constant 0 : i32
    return %arg0, %c0_i32, %c0_i32_0 : i32, i32, i32
  }
  func.func @transform_3(%arg0: i32) -> (i32, i32, i32) {
    %c0_i32 = arith.constant 0 : i32
    %c0_i32_0 = arith.constant 0 : i32
    %c0_i32_1 = arith.constant 0 : i32
    return %arg0, %c0_i32, %c0_i32_0 : i32, i32, i32
  }
}

module attributes {stable_mosaic.version = 14 : i64} {
  func.func @_route3_body(%arg0: i32, %arg1: memref<512x768xf32, #tpu.memory_space<vmem>>, %arg2: memref<512x1xf32, #tpu.memory_space<vmem>>, %arg3: memref<768x64xf32, #tpu.memory_space<vmem>>, %arg4: memref<512x1xi32, #tpu.memory_space<vmem>>, %arg5: memref<512x1xi32, #tpu.memory_space<vmem>>, %arg6: memref<512x1xf32, #tpu.memory_space<vmem>>, %arg7: memref<512x768xf32, #tpu.memory_space<vmem>>, %arg8: memref<1x64xf32, #tpu.memory_space<vmem>>) attributes {dimension_semantics = [#tpu.dimension_semantics<arbitrary>], iteration_bounds = array<i64: 8>, scalar_prefetch = 0 : i64, scratch_operands = 1 : i64, tpu.core_type = #tpu.core_type<tc>, window_params = [{transform_indices = @transform_0, window_bounds = array<i64: 512, 768>}, {transform_indices = @transform_1, window_bounds = array<i64: 512, 1>}, {pipeline_mode = #tpu.pipeline_mode<synchronous>, transform_indices = @transform_2, window_bounds = array<i64: 768, 64>}, {transform_indices = @transform_3, window_bounds = array<i64: 512, 1>}, {transform_indices = @transform_4, window_bounds = array<i64: 512, 1>}, {transform_indices = @transform_5, window_bounds = array<i64: 512, 1>}, {transform_indices = @transform_6, window_bounds = array<i64: 512, 768>}]} {
    %get3A = arith.constant 0 : index
    %get3A_0 = arith.constant 0 : index
    %get3A_1 = vector.load %arg2[%get3A, %get3A_0] : memref<512x1xf32, #tpu.memory_space<vmem>>, vector<512x1xf32>
    %gt3A = arith.constant 0.000000e+00 : f32
    %gt3A_2 = vector.broadcast %gt3A : f32 to vector<512x1xf32>
    %gt3A_3 = arith.cmpf ogt, %get3A_1, %gt3A_2 : vector<512x1xf32>
    %get3A_4 = arith.constant 0 : index
    %get3A_5 = arith.constant 0 : index
    %get3A_6 = vector.load %arg1[%get3A_4, %get3A_5] : memref<512x768xf32, #tpu.memory_space<vmem>>, vector<512x768xf32>
    %mul3A = vector.broadcast %get3A_1 : vector<512x1xf32> to vector<512x768xf32>
    %mul3A_7 = arith.mulf %get3A_6, %mul3A : vector<512x768xf32>
    %jit3A = arith.constant 0.000000e+00 : f32
    %broadcast_in_dim3A = vector.shape_cast %gt3A_3 : vector<512x1xi1> to vector<512x1xi1>
    %broadcast_in_dim3A_8 = vector.broadcast %broadcast_in_dim3A : vector<512x1xi1> to vector<512x768xi1>
    %broadcast_in_dim3A_9 = vector.broadcast %jit3A : f32 to vector<512x768xf32>
    %select_n3A = arith.select %broadcast_in_dim3A_8, %mul3A_7, %broadcast_in_dim3A_9 : vector<512x768xi1>, vector<512x768xf32>
    %swap3A = arith.constant 0 : index
    %swap3A_10 = arith.constant 0 : index
    %swap3A_11 = vector.load %arg7[%swap3A, %swap3A_10] : memref<512x768xf32, #tpu.memory_space<vmem>>, vector<512x768xf32>
    tpu.vector_store %arg7[%swap3A, %swap3A_10], %select_n3A {strides = array<i32>} : memref<512x768xf32, #tpu.memory_space<vmem>>, vector<512x768xf32>,
    %get3A_12 = arith.constant 0 : index
    %get3A_13 = arith.constant 0 : index
    %get3A_14 = vector.load %arg3[%get3A_12, %get3A_13] : memref<768x64xf32, #tpu.memory_space<vmem>>, vector<768x64xf32>
    %dot_general3A = arith.constant dense<0.000000e+00> : vector<512x64xf32>
    %dot_general3A_15 = tpu.matmul %select_n3A, %get3A_14, %dot_general3A {dimension_numbers = #tpu.dot_dimension_numbers<[1], [0], [0], [1], [0, 0, 1, 1], [], []>, transpose_lhs_hint = false} : vector<512x768xf32>, vector<768x64xf32>, vector<512x64xf32> -> vector<512x64xf32>
    %reduce_max3A = arith.constant dense<0xFF800000> : vector<512xf32>
    %reduce_max3A_16 = vector.multi_reduction <maximumf>, %dot_general3A_15, %reduce_max3A [1] : vector<512x64xf32> to vector<512xf32>
    %broadcast_in_dim3A_17 = vector.shape_cast %reduce_max3A_16 : vector<512xf32> to vector<512x1xf32>
    %sub3A = vector.broadcast %broadcast_in_dim3A_17 : vector<512x1xf32> to vector<512x64xf32>
    %sub3A_18 = arith.subf %dot_general3A_15, %sub3A : vector<512x64xf32>
    %exp3A = math.exp %sub3A_18 : vector<512x64xf32>
    %reduce_sum3A = arith.constant dense<0.000000e+00> : vector<512xf32>
    %reduce_sum3A_19 = vector.multi_reduction <add>, %exp3A, %reduce_sum3A [1] : vector<512x64xf32> to vector<512xf32>
    %broadcast_in_dim3A_20 = vector.shape_cast %reduce_sum3A_19 : vector<512xf32> to vector<512x1xf32>
    %div3A = arith.constant 1.000000e+00 : f32
    %div3A_21 = vector.broadcast %div3A : f32 to vector<512x1xf32>
    %div3A_22 = arith.divf %div3A_21, %broadcast_in_dim3A_20 : vector<512x1xf32>
    %iota3A = tpu.iota {dimensions = array<i32: 1>} : vector<512x64xi32>
    %eq3A = vector.broadcast %broadcast_in_dim3A_17 : vector<512x1xf32> to vector<512x64xf32>
    %eq3A_23 = arith.cmpf oeq, %dot_general3A_15, %eq3A : vector<512x64xf32>
    %jit3A_24 = arith.constant 64 : i32
    %broadcast_in_dim3A_25 = vector.broadcast %jit3A_24 : i32 to vector<512x64xi32>
    %select_n3A_26 = arith.select %eq3A_23, %iota3A, %broadcast_in_dim3A_25 : vector<512x64xi1>, vector<512x64xi32>
    %reduce_min3A = arith.constant dense<2147483647> : vector<512xi32>
    %reduce_min3A_27 = vector.multi_reduction <minsi>, %select_n3A_26, %reduce_min3A [1] : vector<512x64xi32> to vector<512xi32>
    %broadcast_in_dim3A_28 = vector.shape_cast %reduce_min3A_27 : vector<512xi32> to vector<512x1xi32>
    %eq3A_29 = vector.broadcast %broadcast_in_dim3A_28 : vector<512x1xi32> to vector<512x64xi32>
    %eq3A_30 = arith.cmpi eq, %iota3A, %eq3A_29 : vector<512x64xi32>
    %convert_element_type3A = arith.extui %eq3A_30 : vector<512x64xi1> to vector<512x64xi32>
    %convert_element_type3A_31 = arith.sitofp %convert_element_type3A : vector<512x64xi32> to vector<512x64xf32>
    %iota3A_32 = tpu.iota {dimensions = array<i32: 0>} : vector<512x512xi32>
    %iota3A_33 = tpu.iota {dimensions = array<i32: 1>} : vector<512x512xi32>
    %ge3A = arith.cmpi sge, %iota3A_32, %iota3A_33 : vector<512x512xi32>
    %convert_element_type3A_34 = arith.extui %ge3A : vector<512x512xi1> to vector<512x512xi32>
    %convert_element_type3A_35 = arith.sitofp %convert_element_type3A_34 : vector<512x512xi32> to vector<512x512xf32>
    %eq3A_36 = arith.constant 0 : i32
    %eq3A_37 = arith.cmpi eq, %arg0, %eq3A_36 : i32
    %convert_element_type3A_38 = arith.extui %eq3A_37 : i1 to i32
    %cond3A = arith.constant 0 : i32
    %cond3A_39 = arith.cmpi ne, %convert_element_type3A_38, %cond3A : i32
    scf.if %cond3A_39 {
      %broadcast_in_dim3A_92 = arith.constant 0.000000e+00 : f32
      %broadcast_in_dim3A_93 = vector.broadcast %broadcast_in_dim3A_92 : f32 to vector<1x64xf32>
      %swap3A_94 = arith.constant 0 : index
      %swap3A_95 = arith.constant 0 : index
      %swap3A_96 = vector.load %arg8[%swap3A_94, %swap3A_95] : memref<1x64xf32, #tpu.memory_space<vmem>>, vector<1x64xf32>
      tpu.vector_store %arg8[%swap3A_94, %swap3A_95], %broadcast_in_dim3A_93 {strides = array<i32>} : memref<1x64xf32, #tpu.memory_space<vmem>>, vector<1x64xf32>,
    } else {
    }
    %dot_general3A_40 = arith.constant dense<0.000000e+00> : vector<512x64xf32>
    %dot_general3A_41 = tpu.matmul %convert_element_type3A_35, %convert_element_type3A_31, %dot_general3A_40 {dimension_numbers = #tpu.dot_dimension_numbers<[1], [0], [0], [1], [0, 0, 1, 1], [], []>, transpose_lhs_hint = false} : vector<512x512xf32>, vector<512x64xf32>, vector<512x64xf32> -> vector<512x64xf32>
    %get3A_42 = arith.constant 0 : index
    %get3A_43 = arith.constant 0 : index
    %get3A_44 = vector.load %arg8[%get3A_42, %get3A_43] : memref<1x64xf32, #tpu.memory_space<vmem>>, vector<1x64xf32>
    %add3A = vector.broadcast %get3A_44 : vector<1x64xf32> to vector<512x64xf32>
    %add3A_45 = arith.addf %dot_general3A_41, %add3A : vector<512x64xf32>
    %mul3A_46 = arith.mulf %convert_element_type3A_31, %add3A_45 : vector<512x64xf32>
    %reduce_sum3A_47 = arith.constant dense<0.000000e+00> : vector<512xf32>
    %reduce_sum3A_48 = vector.multi_reduction <add>, %mul3A_46, %reduce_sum3A_47 [1] : vector<512x64xf32> to vector<512xf32>
    %broadcast_in_dim3A_49 = vector.shape_cast %reduce_sum3A_48 : vector<512xf32> to vector<512x1xf32>
    %sub3A_50 = arith.constant 1.000000e+00 : f32
    %sub3A_51 = vector.broadcast %sub3A_50 : f32 to vector<512x1xf32>
    %sub3A_52 = arith.subf %broadcast_in_dim3A_49, %sub3A_51 : vector<512x1xf32>
    %get3A_53 = arith.constant 0 : index
    %get3A_54 = arith.constant 0 : index
    %get3A_55 = vector.load %arg8[%get3A_53, %get3A_54] : memref<1x64xf32, #tpu.memory_space<vmem>>, vector<1x64xf32>
    %reduce_sum3A_56 = arith.constant dense<0.000000e+00> : vector<64xf32>
    %reduce_sum3A_57 = vector.multi_reduction <add>, %convert_element_type3A_31, %reduce_sum3A_56 [0] : vector<512x64xf32> to vector<64xf32>
    %broadcast_in_dim3A_58 = vector.shape_cast %reduce_sum3A_57 : vector<64xf32> to vector<1x64xf32>
    %add3A_59 = arith.addf %get3A_55, %broadcast_in_dim3A_58 : vector<1x64xf32>
    %swap3A_60 = arith.constant 0 : index
    %swap3A_61 = arith.constant 0 : index
    %swap3A_62 = vector.load %arg8[%swap3A_60, %swap3A_61] : memref<1x64xf32, #tpu.memory_space<vmem>>, vector<1x64xf32>
    tpu.vector_store %arg8[%swap3A_60, %swap3A_61], %add3A_59 {strides = array<i32>} : memref<1x64xf32, #tpu.memory_space<vmem>>, vector<1x64xf32>,
    %lt3A = arith.constant 8.000000e+01 : f32
    %lt3A_63 = vector.broadcast %lt3A : f32 to vector<512x1xf32>
    %lt3A_64 = arith.cmpf olt, %sub3A_52, %lt3A_63 : vector<512x1xf32>
    %mul3A_65 = arith.constant 80 : i32
    %mul3A_66 = vector.broadcast %mul3A_65 : i32 to vector<512x1xi32>
    %mul3A_67 = arith.muli %broadcast_in_dim3A_28, %mul3A_66 : vector<512x1xi32>
    %convert_element_type3A_68 = arith.fptosi %sub3A_52 : vector<512x1xf32> to vector<512x1xi32>
    %add3A_69 = arith.addi %mul3A_67, %convert_element_type3A_68 : vector<512x1xi32>
    %iota3A_70 = tpu.iota {dimensions = array<i32: 0>} : vector<512x1xi32>
    %and3A = arith.constant 15 : i32
    %and3A_71 = vector.broadcast %and3A : i32 to vector<512x1xi32>
    %and3A_72 = arith.andi %iota3A_70, %and3A_71 : vector<512x1xi32>
    %add3A_73 = arith.constant 5120 : i32
    %add3A_74 = vector.broadcast %add3A_73 : i32 to vector<512x1xi32>
    %add3A_75 = arith.addi %add3A_74, %and3A_72 : vector<512x1xi32>
    %select_n3A_76 = arith.select %lt3A_64, %add3A_69, %add3A_75 : vector<512x1xi1>, vector<512x1xi32>
    %swap3A_77 = arith.constant 0 : index
    %swap3A_78 = arith.constant 0 : index
    %swap3A_79 = vector.load %arg4[%swap3A_77, %swap3A_78] : memref<512x1xi32, #tpu.memory_space<vmem>>, vector<512x1xi32>
    tpu.vector_store %arg4[%swap3A_77, %swap3A_78], %select_n3A_76 {strides = array<i32>} : memref<512x1xi32, #tpu.memory_space<vmem>>, vector<512x1xi32>,
    %jit3A_80 = arith.constant 0 : i32
    %broadcast_in_dim3A_81 = vector.broadcast %jit3A_80 : i32 to vector<512x1xi32>
    %select_n3A_82 = arith.select %lt3A_64, %add3A_69, %broadcast_in_dim3A_81 : vector<512x1xi1>, vector<512x1xi32>
    %swap3A_83 = arith.constant 0 : index
    %swap3A_84 = arith.constant 0 : index
    %swap3A_85 = vector.load %arg5[%swap3A_83, %swap3A_84] : memref<512x1xi32, #tpu.memory_space<vmem>>, vector<512x1xi32>
    tpu.vector_store %arg5[%swap3A_83, %swap3A_84], %select_n3A_82 {strides = array<i32>} : memref<512x1xi32, #tpu.memory_space<vmem>>, vector<512x1xi32>,
    %jit3A_86 = arith.constant 0.000000e+00 : f32
    %broadcast_in_dim3A_87 = vector.broadcast %jit3A_86 : f32 to vector<512x1xf32>
    %select_n3A_88 = arith.select %lt3A_64, %div3A_22, %broadcast_in_dim3A_87 : vector<512x1xi1>, vector<512x1xf32>
    %swap3A_89 = arith.constant 0 : index
    %swap3A_90 = arith.constant 0 : index
    %swap3A_91 = vector.load %arg6[%swap3A_89, %swap3A_90] : memref<512x1xf32, #tpu.memory_space<vmem>>, vector<512x1xf32>
    tpu.vector_store %arg6[%swap3A_89, %swap3A_90], %select_n3A_88 {strides = array<i32>} : memref<512x1xf32, #tpu.memory_space<vmem>>, vector<512x1xf32>,
    return
  }
  func.func @transform_0(%arg0: i32) -> (i32, i32) {
    %c0_i32 = arith.constant 0 : i32
    %c0_i32_0 = arith.constant 0 : i32
    return %arg0, %c0_i32 : i32, i32
  }
  func.func @transform_1(%arg0: i32) -> (i32, i32) {
    %c0_i32 = arith.constant 0 : i32
    %c0_i32_0 = arith.constant 0 : i32
    return %arg0, %c0_i32 : i32, i32
  }
  func.func @transform_2(%arg0: i32) -> (i32, i32) {
    %c0_i32 = arith.constant 0 : i32
    %c0_i32_0 = arith.constant 0 : i32
    %c0_i32_1 = arith.constant 0 : i32
    return %c0_i32, %c0_i32_0 : i32, i32
  }
  func.func @transform_3(%arg0: i32) -> (i32, i32) {
    %c0_i32 = arith.constant 0 : i32
    %c0_i32_0 = arith.constant 0 : i32
    return %arg0, %c0_i32 : i32, i32
  }
  func.func @transform_4(%arg0: i32) -> (i32, i32) {
    %c0_i32 = arith.constant 0 : i32
    %c0_i32_0 = arith.constant 0 : i32
    return %arg0, %c0_i32 : i32, i32
  }
  func.func @transform_5(%arg0: i32) -> (i32, i32) {
    %c0_i32 = arith.constant 0 : i32
    %c0_i32_0 = arith.constant 0 : i32
    return %arg0, %c0_i32 : i32, i32
  }
  func.func @transform_6(%arg0: i32) -> (i32, i32) {
    %c0_i32 = arith.constant 0 : i32
    %c0_i32_0 = arith.constant 0 : i32
    return %arg0, %c0_i32 : i32, i32
  }
}

module attributes {stable_mosaic.version = 14 : i64} {
  func.func @_final_body(%arg0: i32, %arg1: memref<512x768xf32, #tpu.memory_space<vmem>>, %arg2: memref<512x768xf32, #tpu.memory_space<vmem>>, %arg3: memref<512x1xf32, #tpu.memory_space<vmem>>, %arg4: memref<2xi32, #tpu.memory_space<smem>>, %arg5: memref<8x128xf32, #tpu.memory_space<vmem>>, %arg6: memref<8x768xf32, #tpu.memory_space<vmem>>) attributes {dimension_semantics = [#tpu.dimension_semantics<arbitrary>], iteration_bounds = array<i64: 8>, scalar_prefetch = 0 : i64, scratch_operands = 1 : i64, tpu.core_type = #tpu.core_type<tc>, window_params = [{transform_indices = @transform_0, window_bounds = array<i64: 512, 768>}, {transform_indices = @transform_1, window_bounds = array<i64: 512, 768>}, {transform_indices = @transform_2, window_bounds = array<i64: 512, 1>}, {transform_indices = @transform_3, window_bounds = array<i64: 2>}, {pipeline_mode = #tpu.pipeline_mode<synchronous>, transform_indices = @transform_4, window_bounds = array<i64: 8, 128>}]} {
    %get3A = arith.constant 0 : index
    %get3A_0 = arith.constant 0 : index
    %get3A_1 = vector.load %arg3[%get3A, %get3A_0] : memref<512x1xf32, #tpu.memory_space<vmem>>, vector<512x1xf32>
    %get3A_2 = arith.constant 0 : index
    %get3A_3 = arith.constant 0 : index
    %get3A_4 = vector.load %arg1[%get3A_2, %get3A_3] : memref<512x768xf32, #tpu.memory_space<vmem>>, vector<512x768xf32>
    %gt3A = arith.constant 0.000000e+00 : f32
    %gt3A_5 = vector.broadcast %gt3A : f32 to vector<512x1xf32>
    %gt3A_6 = arith.cmpf ogt, %get3A_1, %gt3A_5 : vector<512x1xf32>
    %get3A_7 = arith.constant 0 : index
    %get3A_8 = arith.constant 0 : index
    %get3A_9 = vector.load %arg2[%get3A_7, %get3A_8] : memref<512x768xf32, #tpu.memory_space<vmem>>, vector<512x768xf32>
    %mul3A = vector.broadcast %get3A_1 : vector<512x1xf32> to vector<512x768xf32>
    %mul3A_10 = arith.mulf %get3A_9, %mul3A : vector<512x768xf32>
    %jit3A = arith.constant 0.000000e+00 : f32
    %broadcast_in_dim3A = vector.shape_cast %gt3A_6 : vector<512x1xi1> to vector<512x1xi1>
    %broadcast_in_dim3A_11 = vector.broadcast %broadcast_in_dim3A : vector<512x1xi1> to vector<512x768xi1>
    %broadcast_in_dim3A_12 = vector.broadcast %jit3A : f32 to vector<512x768xf32>
    %select_n3A = arith.select %broadcast_in_dim3A_11, %mul3A_10, %broadcast_in_dim3A_12 : vector<512x768xi1>, vector<512x768xf32>
    %add3A = arith.addf %get3A_4, %select_n3A : vector<512x768xf32>
    %reduce_sum3A = arith.constant dense<0.000000e+00> : vector<768xf32>
    %reduce_sum3A_13 = vector.multi_reduction <add>, %add3A, %reduce_sum3A [0] : vector<512x768xf32> to vector<768xf32>
    %broadcast_in_dim3A_14 = vector.shape_cast %reduce_sum3A_13 : vector<768xf32> to vector<1x768xf32>
    %iota3A = tpu.iota {dimensions = array<i32: 0>} : vector<8x1xi32>
    %eq3A = vector.broadcast %arg0 : i32 to vector<8x1xi32>
    %eq3A_15 = arith.cmpi eq, %iota3A, %eq3A : vector<8x1xi32>
    %jit3A_16 = arith.constant 1.000000e+00 : f32
    %jit3A_17 = arith.constant 0.000000e+00 : f32
    %broadcast_in_dim3A_18 = vector.broadcast %jit3A_16 : f32 to vector<8x1xf32>
    %broadcast_in_dim3A_19 = vector.broadcast %jit3A_17 : f32 to vector<8x1xf32>
    %select_n3A_20 = arith.select %eq3A_15, %broadcast_in_dim3A_18, %broadcast_in_dim3A_19 : vector<8x1xi1>, vector<8x1xf32>
    %mul3A_21 = vector.broadcast %select_n3A_20 : vector<8x1xf32> to vector<8x768xf32>
    %mul3A_22 = vector.broadcast %broadcast_in_dim3A_14 : vector<1x768xf32> to vector<8x768xf32>
    %mul3A_23 = arith.mulf %mul3A_21, %mul3A_22 : vector<8x768xf32>
    %eq3A_24 = arith.constant 0 : i32
    %eq3A_25 = arith.cmpi eq, %arg0, %eq3A_24 : i32
    %convert_element_type3A = arith.extui %eq3A_25 : i1 to i32
    %cond3A = arith.constant 0 : i32
    %cond3A_26 = arith.cmpi ne, %convert_element_type3A, %cond3A : i32
    scf.if %cond3A_26 {
      %swap3A = arith.constant 0 : index
      %swap3A_37 = arith.constant 0 : index
      %swap3A_38 = vector.load %arg6[%swap3A, %swap3A_37] : memref<8x768xf32, #tpu.memory_space<vmem>>, vector<8x768xf32>
      tpu.vector_store %arg6[%swap3A, %swap3A_37], %mul3A_23 {strides = array<i32>} : memref<8x768xf32, #tpu.memory_space<vmem>>, vector<8x768xf32>,
    } else {
    }
    %gt3A_27 = arith.constant 0 : i32
    %gt3A_28 = arith.cmpi sgt, %arg0, %gt3A_27 : i32
    %convert_element_type3A_29 = arith.extui %gt3A_28 : i1 to i32
    %cond3A_30 = arith.constant 0 : i32
    %cond3A_31 = arith.cmpi ne, %convert_element_type3A_29, %cond3A_30 : i32
    scf.if %cond3A_31 {
      %get3A_37 = arith.constant 0 : index
      %get3A_38 = arith.constant 0 : index
      %get3A_39 = vector.load %arg6[%get3A_37, %get3A_38] : memref<8x768xf32, #tpu.memory_space<vmem>>, vector<8x768xf32>
      %add3A_40 = arith.addf %get3A_39, %mul3A_23 : vector<8x768xf32>
      %swap3A = arith.constant 0 : index
      %swap3A_41 = arith.constant 0 : index
      %swap3A_42 = vector.load %arg6[%swap3A, %swap3A_41] : memref<8x768xf32, #tpu.memory_space<vmem>>, vector<8x768xf32>
      tpu.vector_store %arg6[%swap3A, %swap3A_41], %add3A_40 {strides = array<i32>} : memref<8x768xf32, #tpu.memory_space<vmem>>, vector<8x768xf32>,
    } else {
    }
    %eq3A_32 = arith.constant 7 : i32
    %eq3A_33 = arith.cmpi eq, %arg0, %eq3A_32 : i32
    %convert_element_type3A_34 = arith.extui %eq3A_33 : i1 to i32
    %cond3A_35 = arith.constant 0 : i32
    %cond3A_36 = arith.cmpi ne, %convert_element_type3A_34, %cond3A_35 : i32
    scf.if %cond3A_36 {
      %get3A_37 = arith.constant 0 : index
      %get3A_38 = arith.constant 0 : index
      %get3A_39 = vector.load %arg6[%get3A_37, %get3A_38] : memref<8x768xf32, #tpu.memory_space<vmem>>, vector<8x768xf32>
      %slice3A = vector.extract_strided_slice %get3A_39 {offsets = [0, 0], sizes = [4, 768], strides = [1, 1]} : vector<8x768xf32> to vector<4x768xf32>
      %reduce_sum3A_40 = arith.constant dense<0.000000e+00> : vector<768xf32>
      %reduce_sum3A_41 = vector.multi_reduction <add>, %slice3A, %reduce_sum3A_40 [0] : vector<4x768xf32> to vector<768xf32>
      %broadcast_in_dim3A_42 = vector.shape_cast %reduce_sum3A_41 : vector<768xf32> to vector<1x768xf32>
      %slice3A_43 = vector.extract_strided_slice %get3A_39 {offsets = [4, 0], sizes = [4, 768], strides = [1, 1]} : vector<8x768xf32> to vector<4x768xf32>
      %reduce_sum3A_44 = arith.constant dense<0.000000e+00> : vector<768xf32>
      %reduce_sum3A_45 = vector.multi_reduction <add>, %slice3A_43, %reduce_sum3A_44 [0] : vector<4x768xf32> to vector<768xf32>
      %broadcast_in_dim3A_46 = vector.shape_cast %reduce_sum3A_45 : vector<768xf32> to vector<1x768xf32>
      %concatenate3A = tpu.concatenate %broadcast_in_dim3A_42, %broadcast_in_dim3A_46 in 0 : vector<1x768xf32>, vector<1x768xf32> -> vector<2x768xf32>
      %mul3A_47 = arith.constant 4.8828125E-4 : f32
      %mul3A_48 = vector.broadcast %mul3A_47 : f32 to vector<2x768xf32>
      %mul3A_49 = arith.mulf %concatenate3A, %mul3A_48 : vector<2x768xf32>
      %reduce_max3A = arith.constant dense<0xFF800000> : vector<2xf32>
      %reduce_max3A_50 = vector.multi_reduction <maximumf>, %mul3A_49, %reduce_max3A [1] : vector<2x768xf32> to vector<2xf32>
      %broadcast_in_dim3A_51 = vector.shape_cast %reduce_max3A_50 : vector<2xf32> to vector<2x1xf32>
      %sub3A = vector.broadcast %broadcast_in_dim3A_51 : vector<2x1xf32> to vector<2x768xf32>
      %sub3A_52 = arith.subf %mul3A_49, %sub3A : vector<2x768xf32>
      %exp3A = math.exp %sub3A_52 : vector<2x768xf32>
      %reduce_sum3A_53 = arith.constant dense<0.000000e+00> : vector<2xf32>
      %reduce_sum3A_54 = vector.multi_reduction <add>, %exp3A, %reduce_sum3A_53 [1] : vector<2x768xf32> to vector<2xf32>
      %broadcast_in_dim3A_55 = vector.shape_cast %reduce_sum3A_54 : vector<2xf32> to vector<2x1xf32>
      %log3A = math.log %broadcast_in_dim3A_55 : vector<2x1xf32>
      %add3A_56 = arith.addf %log3A, %broadcast_in_dim3A_51 : vector<2x1xf32>
      %sub3A_57 = vector.broadcast %add3A_56 : vector<2x1xf32> to vector<2x768xf32>
      %sub3A_58 = arith.subf %mul3A_49, %sub3A_57 : vector<2x768xf32>
      %iota3A_59 = tpu.iota {dimensions = array<i32: 1>} : vector<2x768xi32>
      %iota3A_60 = tpu.iota {dimensions = array<i32: 0>} : vector<2x768xi32>
      %eq3A_61 = arith.constant 0 : i32
      %eq3A_62 = vector.broadcast %eq3A_61 : i32 to vector<2x768xi32>
      %eq3A_63 = arith.cmpi eq, %iota3A_60, %eq3A_62 : vector<2x768xi32>
      %get3A_64 = arith.constant 0 : index
      %get3A_65 = memref.load %arg4[%get3A_64] : memref<2xi32, #tpu.memory_space<smem>>
      %get3A_66 = arith.constant 1 : index
      %get3A_67 = memref.load %arg4[%get3A_66] : memref<2xi32, #tpu.memory_space<smem>>
      %broadcast_in_dim3A_68 = vector.broadcast %get3A_65 : i32 to vector<2x768xi32>
      %broadcast_in_dim3A_69 = vector.broadcast %get3A_67 : i32 to vector<2x768xi32>
      %select_n3A_70 = arith.select %eq3A_63, %broadcast_in_dim3A_68, %broadcast_in_dim3A_69 : vector<2x768xi1>, vector<2x768xi32>
      %eq3A_71 = arith.cmpi eq, %iota3A_59, %select_n3A_70 : vector<2x768xi32>
      %jit3A_72 = arith.constant 0.000000e+00 : f32
      %broadcast_in_dim3A_73 = vector.broadcast %jit3A_72 : f32 to vector<2x768xf32>
      %select_n3A_74 = arith.select %eq3A_71, %sub3A_58, %broadcast_in_dim3A_73 : vector<2x768xi1>, vector<2x768xf32>
      %reduce_sum3A_75 = vector.shape_cast %select_n3A_74 : vector<2x768xf32> to vector<1x2x768xf32>
      %reduce_sum3A_76 = arith.constant dense<0.000000e+00> : vector<1xf32>
      %reduce_sum3A_77 = vector.multi_reduction <add>, %reduce_sum3A_75, %reduce_sum3A_76 [1, 2] : vector<1x2x768xf32> to vector<1xf32>
      %reduce_sum3A_78 = vector.shape_cast %reduce_sum3A_77 : vector<1xf32> to vector<1x1x1xf32>
      %reduce_sum3A_79 = vector.extract %reduce_sum3A_78[0, 0, 0] : f32 from vector<1x1x1xf32>
      %neg3A = arith.constant 0.000000e+00 : f32
      %neg3A_80 = arith.subf %neg3A, %reduce_sum3A_79 : f32
      %mul3A_81 = arith.constant 5.000000e-01 : f32
      %mul3A_82 = arith.mulf %neg3A_80, %mul3A_81 : f32
      %broadcast_in_dim3A_83 = vector.broadcast %mul3A_82 : f32 to vector<8x128xf32>
      %swap3A = arith.constant 0 : index
      %swap3A_84 = arith.constant 0 : index
      %swap3A_85 = vector.load %arg5[%swap3A, %swap3A_84] : memref<8x128xf32, #tpu.memory_space<vmem>>, vector<8x128xf32>
      tpu.vector_store %arg5[%swap3A, %swap3A_84], %broadcast_in_dim3A_83 {strides = array<i32>} : memref<8x128xf32, #tpu.memory_space<vmem>>, vector<8x128xf32>,
    } else {
    }
    return
  }
  func.func @transform_0(%arg0: i32) -> (i32, i32) {
    %c0_i32 = arith.constant 0 : i32
    %c0_i32_0 = arith.constant 0 : i32
    return %arg0, %c0_i32 : i32, i32
  }
  func.func @transform_1(%arg0: i32) -> (i32, i32) {
    %c0_i32 = arith.constant 0 : i32
    %c0_i32_0 = arith.constant 0 : i32
    return %arg0, %c0_i32 : i32, i32
  }
  func.func @transform_2(%arg0: i32) -> (i32, i32) {
    %c0_i32 = arith.constant 0 : i32
    %c0_i32_0 = arith.constant 0 : i32
    return %arg0, %c0_i32 : i32, i32
  }
  func.func @transform_3(%arg0: i32) -> i32 {
    %c0_i32 = arith.constant 0 : i32
    %c0_i32_0 = arith.constant 0 : i32
    return %c0_i32 : i32
  }
  func.func @transform_4(%arg0: i32) -> (i32, i32) {
    %c0_i32 = arith.constant 0 : i32
    %c0_i32_0 = arith.constant 0 : i32
    %c0_i32_1 = arith.constant 0 : i32
    return %c0_i32, %c0_i32_0 : i32, i32
  }
}

</mosaic_0001>

<sc_bundles>
// kernel: kernel.11.cloned.1.call-start
scs
__scs_entry_jumppad:
0x0: {  	(pc) =	sbr.rel $0x88, $3  }
0x1: {  	(tag) =	ssettag $0x0;
	lr =	simm.s32 $0x1  }
0x2: {  	[smem:$0x3F97] =	sst lr;
	_ =	strace $0xD0000000  }
0x3: {  	_ = 	snop  }
0x4: {  	_ = 	snop  }
0x5: {  	_ = 	snop  }
0x6: {  	_ = 	snop  }
0x7: {  	_ = 	snop  }
__scs_overlays_trampoline_lowered:
0x8: {  	[smem:$0x3FA6] =	sst s0  }
0x9: {  	[smem:$0x3FA7] =	sst s1  }
0xa: {  	[smem:$0x3FA8] =	sst s2  }
0xb: {  	[smem:$0x3FA9] =	sst s3  }
0xc: {  	[smem:$0x3FAA] =	sst s4  }
0xd: {  	[smem:$0x3FAB] =	sst s5  }
0xe: {  	[smem:$0x3FAC] =	sst s6  }
0xf: {  	[smem:$0x3FAD] =	sst s7  }
0x10: {  	[smem:$0x3FAE] =	sst s8  }
0x11: {  	[smem:$0x3FAF] =	sst s9;
	s0 =	simm.s32 @!p0 $0x0  }
0x12: {  	s1 =	sld [smem:$0x3F95];
	s0 =	simm.s32 @p0 $0x1  }
0x13: {  	[smem:$0x3FB0] =	sst s0;
	s0 =	simm.s32 @!p1 $0x0  }
0x14: {  	s2 =	sld [smem:$0x3F94];
	s0 =	simm.s32 @p1 $0x1  }
0x15: {  	[smem:$0x3FB1] =	sst s0;
	s0 =	simm.s32 @!p2 $0x0  }
0x16: {  	s3 =	sld [smem:$0x3FDB];
	s0 =	simm.s32 @p2 $0x1  }
0x17: {  	s4 =	simm.s32 $0x1BF5;
	[smem:$0x3FB3] =	sst s0  }
0x18: {  	s0 =	sld [smem:$0x3F96];
	_ =	swait.ge [sflag:s4], $0x0  }
0x19: {  	s7 =	sld [smem:$0x3F97]  }
0x1a: {  	s8 =	sadd.s32 $0xFFFFE003, lr  }
0x1b: {  	s9 =	sadd.s32 $0xFFFFFEF7, lr;
	s5 =	simm.s32 $0xFFFFFFFF;
	p2 =	slt.u32 s8, $0xFFFFF086  }
0x1c: {  	p1 =	slt.u32 s9, $0xF7A;
	s5 =	simm.s32 @!p2 $0x0  }
0x1d: {  	s5 =	simm.s32 @p1 $0x1;
	p0 =	seq.s32 s7, s2  }
0x1e: {  	s7 =	smul.u32 @!p0 $0xF7A, s2;
	p2 =	seq.s32 @!p0 s5, $0x0  }
0x1f: {  	s9 =	smul.u32 $0xF7A, s1;
	s8 =	simm.s32 @!p0 $0x1BF5;
	p2 =	por !p2, p0  }
0x20: {  	[sflag:s8] =	ssyncset.s32 @!p0 $0xFFFFF086;
	s6 =	sadd.s32 @!p0 s3, s7;
	s7 =	simm.s32 @!p0 $0x108  }
0x21: {  	s3 =	sadd.s32 s3, s9;
	s6 =	sadd.s32 @!p0 $0x88, s6;
	s7 =	simm.s32 @p2 $0x1082  }
0x22: {  	[simem:s7], [sflag:s8] =	dma.local @!p0 [hbm:s6], $0xF7A  }
0x23: {  	s9 =	sor.u32 $0xD0000000, s2;
	s6 =	simm.s32 $0x108;
	_ =	swait.ge @!p0 [sflag:s8], $0x0  }
0x24: {  	s3 =	sadd.s32 $0x88, s3;
	s6 =	simm.s32 @!p1 $0x1082;
	[sflag:s4] =	ssyncset.s32 $0xFFFFF086  }
0x25: {  	[simem:s6], [sflag:s4] =	dma.local [hbm:s3], $0xF7A  }
0x26: {  	[smem:$0x3F97] =	sst s1;
	(tag) =	ssettag s2;
	_ =	strace s9  }
0x27: {  	s1 =	sld [smem:$0x3FA7]  }
0x28: {  	s2 =	sld [smem:$0x3FA8]  }
0x29: {  	s4 =	sld [smem:$0x3FAA]  }
0x2a: {  	p0 =	seq.s32 s5, $0x0;
	s5 =	sld [smem:$0x3FAB]  }
0x2b: {  	s6 =	sld [smem:$0x3FAC]  }
0x2c: {  	s7 =	sld [smem:$0x3FAD]  }
0x2d: {  	s3 =	simm.s32 $0x108;
	s8 =	sld [smem:$0x3FAE]  }
0x2e: {  	s3 =	simm.s32 @!p0 $0x1082;
	s9 =	sld [smem:$0x3FAF]  }
0x2f: {  	lr =	sadd.s32 s0, s3;
	s0 =	sld [smem:$0x3FA6]  }
0x30: {  	s3 =	sld [smem:$0x3FA9]  }
0x31: {  	[smem:$0x3FB2] =	sst s10  }
0x32: {  	s10 =	sld [smem:$0x3FB0];
	_ =	sdelay $0x3  }
0x33: {  	p0 =	seq.s32 s10, $0x1;
	s10 =	sld [smem:$0x3FB2];
	_ =	sdelay $0x3  }
0x34: {  	[smem:$0x3FB2] =	sst s10  }
0x35: {  	s10 =	sld [smem:$0x3FB1];
	_ =	sdelay $0x3  }
0x36: {  	p1 =	seq.s32 s10, $0x1;
	s10 =	sld [smem:$0x3FB2];
	_ =	sdelay $0x3  }
0x37: {  	[smem:$0x3FB2] =	sst s10  }
0x38: {  	s10 =	sld [smem:$0x3FB3]  }
0x39: {  	_ = 	snop;
	(pc) =	sbr.ind lr, $3  }
0x3a: {  	_ = 	snop  }
0x3b: {  	_ = 	snop  }
0x3c: {  	p2 =	seq.s32 s10, $0x1;
	s10 =	sld [smem:$0x3FB2]  }
0x3d: {  	_ =	shalt  }
0x3e: {  	_ =	shalt  }
0x3f: {  	_ =	shalt  }
0x40: {  	_ =	shalt  }
0x41: {  	_ =	shalt  }
0x42: {  	_ =	shalt  }
0x43: {  	_ =	shalt  }
0x44: {  	_ =	shalt  }
0x45: {  	_ =	shalt  }
0x46: {  	_ =	shalt  }
0x47: {  	_ =	shalt  }
0x48: {  	_ =	shalt  }
0x49: {  	_ =	shalt  }
0x4a: {  	_ =	shalt  }
0x4b: {  	_ =	shalt  }
0x4c: {  	_ =	shalt  }
0x4d: {  	_ =	shalt  }
0x4e: {  	_ =	shalt  }
0x4f: {  	_ =	shalt  }
0x50: {  	_ =	shalt  }
0x51: {  	_ =	shalt  }
0x52: {  	_ =	shalt  }
0x53: {  	_ =	shalt  }
0x54: {  	_ =	shalt  }
0x55: {  	_ =	shalt  }
0x56: {  	_ =	shalt  }
0x57: {  	_ =	shalt  }
0x58: {  	_ =	shalt  }
0x59: {  	_ =	shalt  }
0x5a: {  	_ =	shalt  }
0x5b: {  	_ =	shalt  }
0x5c: {  	_ =	shalt  }
0x5d: {  	_ =	shalt  }
0x5e: {  	_ =	shalt  }
0x5f: {  	_ =	shalt  }
0x60: {  	_ =	shalt  }
0x61: {  	_ =	shalt  }
0x62: {  	_ =	shalt  }
0x63: {  	_ =	shalt  }
0x64: {  	_ =	shalt  }
0x65: {  	_ =	shalt  }
0x66: {  	_ =	shalt  }
0x67: {  	_ =	shalt  }
0x68: {  	_ =	shalt  }
0x69: {  	_ =	shalt  }
0x6a: {  	_ =	shalt  }
0x6b: {  	_ =	shalt  }
0x6c: {  	_ =	shalt  }
0x6d: {  	_ =	shalt  }
0x6e: {  	_ =	shalt  }
0x6f: {  	_ =	shalt  }
0x70: {  	_ =	shalt  }
0x71: {  	_ =	shalt  }
0x72: {  	_ =	shalt  }
0x73: {  	_ =	shalt  }
0x74: {  	_ =	shalt  }
0x75: {  	_ =	shalt  }
0x76: {  	_ =	shalt  }
0x77: {  	_ =	shalt  }
0x78: {  	_ =	shalt  }
0x79: {  	_ =	shalt  }
0x7a: {  	_ =	shalt  }
0x7b: {  	_ =	shalt  }
0x7c: {  	_ =	shalt  }
0x7d: {  	_ =	shalt  }
0x7e: {  	_ =	shalt  }
0x7f: {  	_ =	shalt  }
0x80: {  	_ =	shalt  }
0x81: {  	_ =	shalt  }
0x82: {  	_ =	shalt  }
0x83: {  	_ =	shalt  }
0x84: {  	_ =	shalt  }
0x85: {  	_ =	shalt  }
0x86: {  	_ =	shalt  }
0x87: {  	_ =	shalt  }
.Lfunc_end0:
.L_simem_size_0:
called_computation_lowered:
.L_overlay_start_0:
0x88: {  	s2 =	sld [smem:$0x3FD9]  }
0x89: {  	s3 =	sld [smem:$0x3FFE];
	_ =	sdelay $0x1  }
0x8a: {  	s1 =	srdreg.scid  }
0x8b: {  	s0 =	sand.u32 $0x1, s1  }
0x8c: {  	s16 =	sshll.u32 s0, $0xA;
	s2 =	sadd.s32 s3, s2  }
0x8d: {  	s2 =	sadd.s32 s2, s16  }
0x8e: {  	[smem:$0x3FBE] =	sst s2  }
0x8f: {  	_ = 	snop  }
0x90: {  	(tm) =	ssettm $0x1  }
0x91: {  	s17 =	sld [smem:$0x3FFB];
	_ =	sdelay $0x3  }
0x92: {  	_ =	strace s17  }
0x93: {  	s2 =	sld [smem:$0x3FFC];
	_ =	sdelay $0x3  }
0x94: {  	_ =	strace s2  }
0x95: {  	s2 =	sld [smem:$0x3FFD];
	_ =	sdelay $0x3  }
0x96: {  	_ =	strace s2  }
0x97: {  	_ =	strace $0x8FFFFFFF  }
0x98: {  	s18 =	sld [smem:$0x3FDB];
	_ =	sdelay $0x1  }
0x99: {  	s19 =	simm.s32 $_scs_section_size  }
0x9a: {  	s4 =	simm.s32 $_size__tile_overlayer_lowered;
	s5 =	simm.s32 $_tile_overlayer_lowered  }
0x9b: {  	s22 =	simm.s32 $0x1BFF;
	s21 =	sshll.u32 s5, $0x1;
	s2 =	sadd.s32 s19, s18  }
0x9c: {  	s6 =	simm.s32 $0x0;
	s20 =	sshll.u32 s4, $0x1;
	s4 =	sadd.s32 s21, s2  }
0x9d: {  	[timem:s6], [sflag:s22] =	dma.local [hbm:s4], s20  }
0x9e: {  	_ =	swait.ge [sflag:s22], s20  }
0x9f: {  	s3 =	ssub.s32 $0x0, s20;
	[sflag:s22] =	ssyncset.done $0x0  }
0xa0: {  	[sflag:s22] =	ssyncadd.s32 s3;
	_ =	sdelay $0x1  }
0xa1: {  	s23 =	simm.s32 $0x1B8B  }
0xa2: {  	_ =	swait.ge [sflag:s23], $0x1  }
0xa3: {  	[sflag:s23] =	ssyncset.done $0x0  }
0xa4: {  	s25 =	simm.s32 $0x1B8E;
	s24 =	sld [smem:$0x3FFE];
	[sflag:s23] =	ssyncadd.s32 $0xFFFFFFFF  }
0xa5: {  	s26 =	simm.s32 $execute0_lowered;
	[smem:$0x3FD2] =	sst s25  }
0xa6: {  	s4 =	sshll.u32 s26, $0x1;
	_ =	strace $0x80000046;
	[dreg:$0x1] =	wrdreg $0xFFFFFFFF  }
0xa7: {  	s28 =	simm.s32 $_size_execute0_lowered;
	s2 =	sadd.s32 s2, s4;
	[dreg:$0x0] =	wrdreg $0x0  }
0xa8: {  	s4 =	sshll.u32 s28, $0x1;
	[dreg:$0x2] =	wrdreg s2  }
0xa9: {  	[dreg:$0x3] =	wrdreg s4  }
0xaa: {  	[dreg:$0x4] =	wrdreg $0xC0  }
0xab: {  	_ =	task [dreg:s6], $0x5FFFF  }
0xac: {  	[dreg:$0x1] =	wrdreg $0xFFFFFFFF  }
0xad: {  	[dreg:$0x0] =	wrdreg $0x60  }
0xae: {  	[dreg:$0x2] =	wrdreg s24  }
0xaf: {  	[dreg:$0x3] =	wrdreg $0x9  }
0xb0: {  	_ =	task.clear_ibuf [dreg:s6], $0x4FFFF;
	_ =	strace $0x90000046  }
0xb1: {  	s29 =	simm.s32 $0x9;
	_ =	strace $0x80000048  }
0xb2: {  	_ =	swait.ge [sflag:s29], $0x1  }
0xb3: {  	[sflag:s29] =	ssyncadd.s32 $0xFFFFFFFF  }
0xb4: {  	_ =	strace $0x90000048  }
0xb5: {  	_ =	sfence  }
0xb6: {  	s30 =	sld [smem:$0x0];
	_ =	sdelay $0x2  }
0xb7: {  	s31 =	sshll.u32 s1, $0xD;
	s1 =	sshrl.u32 s1, $0x2  }
0xb8: {  	s3 =	sand.u32 $0x4000, s31;
	s1 =	sadd.s32 s1, s30  }
0xb9: {  	s0 =	sor.u32 s3, s0;
	s1 =	sshll.u32 s1, $0x11  }
0xba: {  	s0 =	sor.u32 s1, s0  }
0xbb: {  	s0 =	sadd.s32 $0x8F2B, s0  }
0xbc: {  	[sflag:s0] =	ssyncadd.remote.s32 $0x1  }
0xbd: {  	_ =	sfence.sel $0xFFFF  }
0xbe: {  	[dreg:$0x0] =	wrdreg $0xFFFFFFFF;
	(pc) =	sbr.abs _section_cstart, $3  }
0xbf: {  	[dreg:$0x1] =	wrdreg $0xFFFFFFFF  }
0xc0: {  	_ =	task.clear_ibuf [dreg:s6], $0x2FFFF;
	_ =	strace $0x9FFFFFFF  }
0xc1: {  	(tm) =	ssettm $0x7FFFFFFF  }
tec
execute0_lowered:
.L_overlay_start_1:
0x0: {  	(tag) =	ssettag $0x1  }
0x1: {  	s1 =	srdreg.scid  }
0x2: {  	s0 =	stileid.u32;
	s1 =	sand.u32 $0x1, s1  }
0x3: {  	s2 =	sshll.u32 s0, $0x5;
	s3 =	sshll.u32 s1, $0x4  }
0x4: {  	s5 =	rddreg [dreg:$0x0];
	s3 =	sor.u32 s3, s2;
	s2 =	simm.s32 $0x0  }
0x5: {  	s25 =	simm.s32 $0x880;
	[smem:$0x7FF] =	sst s2  }
0x6: {  	s26 =	simm.s32 $0x1080;
	_ =	strace $0x80000047;
	[dreg:$0x4] =	wrdreg s25  }
0x7: {  	s0 =	simm.s32 $0x1880;
	[dreg:$0x5] =	wrdreg s26  }
0x8: {  	s6 =	simm.s32 $0x2880;
	[dreg:$0x6] =	wrdreg s0  }
0x9: {  	s7 =	simm.s32 $0x3080;
	[dreg:$0x8] =	wrdreg s6  }
0xa: {  	s8 =	simm.s32 $0x3880;
	[dreg:$0x9] =	wrdreg s7  }
0xb: {  	s9 =	simm.s32 $0x4080;
	[dreg:$0xa] =	wrdreg s8  }
0xc: {  	s10 =	simm.s32 $0x4880;
	[dreg:$0xb] =	wrdreg s9  }
0xd: {  	s11 =	simm.s32 $0x5080;
	[dreg:$0xc] =	wrdreg s10  }
0xe: {  	s12 =	simm.s32 $0x5880;
	[dreg:$0xd] =	wrdreg s11  }
0xf: {  	s13 =	simm.s32 $0x6080;
	[dreg:$0xe] =	wrdreg s12  }
0x10: {  	s14 =	simm.s32 $0x6880;
	[dreg:$0xf] =	wrdreg s13  }
0x11: {  	s15 =	simm.s32 $0x7080;
	[dreg:$0x10] =	wrdreg s14  }
0x12: {  	s16 =	simm.s32 $0x7880;
	[dreg:$0x11] =	wrdreg s15  }
0x13: {  	s17 =	simm.s32 $0x8080;
	s18 =	simm.s32 $0x8880;
	[dreg:$0x12] =	wrdreg s16  }
0x14: {  	s19 =	simm.s32 $0x9080;
	s20 =	simm.s32 $0x9880;
	[dreg:$0x13] =	wrdreg s17  }
0x15: {  	s21 =	simm.s32 $0xA080;
	s22 =	simm.s32 $0xA880;
	[dreg:$0x14] =	wrdreg s18  }
0x16: {  	s23 =	simm.s32 $0xB080;
	s28 =	simm.s32 $0x16080;
	[dreg:$0x15] =	wrdreg s19  }
0x17: {  	s29 =	simm.s32 $0x16880;
	s30 =	simm.s32 $0x17080;
	[dreg:$0x16] =	wrdreg s20  }
0x18: {  	s31 =	simm.s32 $0x17880;
	s1 =	ssub.s32 $0x2, s1;
	[dreg:$0x17] =	wrdreg s21  }
0x19: {  	s4 =	smul.u32 $0x300, s3;
	s3 =	sadd.s32 s3, s5;
	[dreg:$0x18] =	wrdreg s22  }
0x1a: {  	s3 =	sadd.s32 $0x61C00, s3;
	s6 =	sshrl.u32 s1, $0x1;
	[dreg:$0x19] =	wrdreg s23  }
0x1b: {  	s7 =	simm.s32 $0xB880;
	s25 =	simm.s32 $0xC880;
	s8 =	simm.s32 $0x80  }
0x1c: {  	s26 =	simm.s32 $0xD080;
	s9 =	simm.s32 $0x1;
	s11 =	simm.s32 $0xE080  }
0x1d: {  	s12 =	simm.s32 $0xE880;
	s13 =	simm.s32 $0xF080;
	s14 =	simm.s32 $0xF880  }
0x1e: {  	s15 =	simm.s32 $0x10080;
	s16 =	simm.s32 $0x10880;
	s17 =	simm.s32 $0x11080  }
0x1f: {  	s18 =	simm.s32 $0x11880;
	s19 =	simm.s32 $0x12080;
	s20 =	simm.s32 $0x12880  }
0x20: {  	s21 =	simm.s32 $0x13080;
	s22 =	simm.s32 $0x13880;
	[dreg:$0x2] =	wrdreg s3  }
0x21: {  	s23 =	simm.s32 $0x14080;
	s4 =	sadd.s32 s4, s5;
	[dreg:$0x1a] =	wrdreg s7  }
0x22: {  	s3 =	sadd.s32 $0x61E00, s5;
	s1 =	ssub.s32 s1, s6;
	[dreg:$0x1c] =	wrdreg s25  }
0x23: {  	s7 =	simm.s32 $0x3;
	[dreg:$0x1d] =	wrdreg s26;
	s25 =	simm.s32 $0x15080  }
0x24: {  	s26 =	simm.s32 $0x15880;
	s24 =	sadd.s32 $0x1C00, s4;
	s4 =	simm.s32 $0x2080  }
0x25: {  	v2 =	vlaneseq.u32;
	s6 =	smax.u32 s1, $0x1;
	s1 =	simm.s32 $0x2;
	[dreg:$0x3] =	wrdreg s24  }
0x26: {  	vm0 =	vmmov $0xffff;
	v1 =	vshrl.u32 v2, $0x3;
	[dreg:$0x7] =	wrdreg s4;
	s4 =	sadd.s32 $0x61F00, s5;
	s24 =	simm.s32 $0xC080  }
0x27: {  	v0 =	vand.u32 $0x7, v2;
	v2 =	vor.u32 $0x8, v2;
	v1 =	vmul.u32 $0x8, v1;
	s5 =	sadd.s32 $0x62000, s5;
	[dreg:$0x1b] =	wrdreg s24;
	s24 =	simm.s32 $0x14880  }
.LBB2_1:
0x28: {  	s0 =	rddreg [dreg:$0x2]  }
0x29: {  	[tilespmem:s2], [sflag:$0x3] =	stream.linear.gather [hbm4b:s0+s2], $0x80, $0x38;
	[tilespmem:$0x18080] =	vst v63  }
0x2a: {  	_ =	swait.ge [sflag:s7], $0x80  }
0x2b: {  	[sflag:s7] =	ssyncset.done $0x0  }
0x2c: {  	s10 =	rddreg [dreg:$0x3];
	[sflag:s7] =	ssyncadd.s32 $0xFFFFFF80  }
0x2d: {  	[tilespmem:s8], [sflag:$0x1] =	stream.linear.gather [hbm4b:s10+s2], $0x18000, $0x38;
	[tilespmem:$0x18080] =	vst v63  }
0x2e: {  	_ =	swait.ge [sflag:s9], $0x18000  }
0x2f: {  	[sflag:s9] =	ssyncset.done $0x0  }
0x30: {  	[sflag:s9] =	ssyncadd.s32 $0xFFFE8000  }
0x31: {  	v3 =	vld [tilespmem:$0x0];
	_ =	sdelay $0x4  }
0x32: {  	v4 =	vshrl.u32 v3, $0x3  }
0x33: {  	v4 =	vmul.u32 $0x30, v4  }
0x34: {  	v3 =	vand.u32 $0x7, v3  }
0x35: {  	v3 =	vor.u32 v3, v4  }
0x36: {  	v4 =	vperm.xlane v3, v0;
	_ =	sdelay $0x1  }
0x37: {  	v4 =	vadd.s32 v1, v4;
	_ =	sdelay $0x3  }
0x38: {  	v3 =	vperm.xlane v3, v2  }
0x39: {  	[hbm4b:s3+s2] =	stream.indirect_vreg.scatter [tilespmem:s8], [sflag:$0x2], $0x80, v4, vm0, $0xb8;
	[tilespmem:$0x18080] =	vst v63  }
0x3a: {  	s0 =	rddreg [dreg:$0x4];
	v3 =	vadd.s32 v1, v3  }
0x3b: {  	[hbm4b:s4+s2] =	stream.indirect_vreg.scatter [tilespmem:s0], [sflag:$0x2], $0x80, v4, vm0, $0xb8;
	[tilespmem:$0x18080] =	vst v63  }
0x3c: {  	s10 =	rddreg [dreg:$0x5]  }
0x3d: {  	[hbm4b:s5+s2] =	stream.indirect_vreg.scatter [tilespmem:s10], [sflag:$0x2], $0x80, v4, vm0, $0xb8;
	[tilespmem:$0x18080] =	vst v63  }
0x3e: {  	s0 =	rddreg [dreg:$0x6]  }
0x3f: {  	[hbm4b:s3+s2] =	stream.indirect_vreg.scatter [tilespmem:s0], [sflag:$0x2], $0x80, v3, vm0, $0xb8;
	[tilespmem:$0x18080] =	vst v63  }
0x40: {  	s10 =	rddreg [dreg:$0x7]  }
0x41: {  	[hbm4b:s4+s2] =	stream.indirect_vreg.scatter [tilespmem:s10], [sflag:$0x2], $0x80, v3, vm0, $0xb8;
	[tilespmem:$0x18080] =	vst v63  }
0x42: {  	s0 =	rddreg [dreg:$0x8]  }
0x43: {  	[hbm4b:s5+s2] =	stream.indirect_vreg.scatter [tilespmem:s0], [sflag:$0x2], $0x80, v3, vm0, $0xb8;
	[tilespmem:$0x18080] =	vst v63  }
0x44: {  	v3 =	vld [tilespmem:$0x10];
	_ =	sdelay $0x4  }
0x45: {  	v57 =	vshrl.u32 v3, $0x3  }
0x46: {  	v4 =	vmul.u32 $0x30, v57  }
0x47: {  	v3 =	vand.u32 $0x7, v3  }
0x48: {  	v3 =	vor.u32 v3, v4  }
0x49: {  	v4 =	vperm.xlane v3, v0;
	_ =	sdelay $0x1  }
0x4a: {  	v4 =	vadd.s32 v1, v4;
	_ =	sdelay $0x3  }
0x4b: {  	s0 =	rddreg [dreg:$0x9];
	v3 =	vperm.xlane v3, v2  }
0x4c: {  	[hbm4b:s3+s2] =	stream.indirect_vreg.scatter [tilespmem:s0], [sflag:$0x2], $0x80, v4, vm0, $0xb8;
	[tilespmem:$0x18080] =	vst v63  }
0x4d: {  	s10 =	rddreg [dreg:$0xa];
	v3 =	vadd.s32 v1, v3  }
0x4e: {  	[hbm4b:s4+s2] =	stream.indirect_vreg.scatter [tilespmem:s10], [sflag:$0x2], $0x80, v4, vm0, $0xb8;
	[tilespmem:$0x18080] =	vst v63  }
0x4f: {  	s0 =	rddreg [dreg:$0xb]  }
0x50: {  	[hbm4b:s5+s2] =	stream.indirect_vreg.scatter [tilespmem:s0], [sflag:$0x2], $0x80, v4, vm0, $0xb8;
	[tilespmem:$0x18080] =	vst v63  }
0x51: {  	s10 =	rddreg [dreg:$0xc]  }
0x52: {  	[hbm4b:s3+s2] =	stream.indirect_vreg.scatter [tilespmem:s10], [sflag:$0x2], $0x80, v3, vm0, $0xb8;
	[tilespmem:$0x18080] =	vst v63  }
0x53: {  	s0 =	rddreg [dreg:$0xd]  }
0x54: {  	[hbm4b:s4+s2] =	stream.indirect_vreg.scatter [tilespmem:s0], [sflag:$0x2], $0x80, v3, vm0, $0xb8;
	[tilespmem:$0x18080] =	vst v63  }
0x55: {  	s10 =	rddreg [dreg:$0xe]  }
0x56: {  	[hbm4b:s5+s2] =	stream.indirect_vreg.scatter [tilespmem:s10], [sflag:$0x2], $0x80, v3, vm0, $0xb8;
	[tilespmem:$0x18080] =	vst v63  }
0x57: {  	v3 =	vld [tilespmem:$0x20];
	_ =	sdelay $0x4  }
0x58: {  	v58 =	vshrl.u32 v3, $0x3  }
0x59: {  	v4 =	vmul.u32 $0x30, v58  }
0x5a: {  	v3 =	vand.u32 $0x7, v3  }
0x5b: {  	v3 =	vor.u32 v3, v4  }
0x5c: {  	v4 =	vperm.xlane v3, v0;
	_ =	sdelay $0x1  }
0x5d: {  	v4 =	vadd.s32 v1, v4;
	_ =	sdelay $0x3  }
0x5e: {  	s0 =	rddreg [dreg:$0xf];
	v3 =	vperm.xlane v3, v2  }
0x5f: {  	[hbm4b:s3+s2] =	stream.indirect_vreg.scatter [tilespmem:s0], [sflag:$0x2], $0x80, v4, vm0, $0xb8;
	[tilespmem:$0x18080] =	vst v63  }
0x60: {  	s10 =	rddreg [dreg:$0x10];
	v3 =	vadd.s32 v1, v3  }
0x61: {  	[hbm4b:s4+s2] =	stream.indirect_vreg.scatter [tilespmem:s10], [sflag:$0x2], $0x80, v4, vm0, $0xb8;
	[tilespmem:$0x18080] =	vst v63  }
0x62: {  	s0 =	rddreg [dreg:$0x11]  }
0x63: {  	[hbm4b:s5+s2] =	stream.indirect_vreg.scatter [tilespmem:s0], [sflag:$0x2], $0x80, v4, vm0, $0xb8;
	[tilespmem:$0x18080] =	vst v63  }
0x64: {  	s10 =	rddreg [dreg:$0x12]  }
0x65: {  	[hbm4b:s3+s2] =	stream.indirect_vreg.scatter [tilespmem:s10], [sflag:$0x2], $0x80, v3, vm0, $0xb8;
	[tilespmem:$0x18080] =	vst v63  }
0x66: {  	s0 =	rddreg [dreg:$0x13]  }
0x67: {  	[hbm4b:s4+s2] =	stream.indirect_vreg.scatter [tilespmem:s0], [sflag:$0x2], $0x80, v3, vm0, $0xb8;
	[tilespmem:$0x18080] =	vst v63  }
0x68: {  	s10 =	rddreg [dreg:$0x14]  }
0x69: {  	[hbm4b:s5+s2] =	stream.indirect_vreg.scatter [tilespmem:s10], [sflag:$0x2], $0x80, v3, vm0, $0xb8;
	[tilespmem:$0x18080] =	vst v63  }
0x6a: {  	v3 =	vld [tilespmem:$0x30];
	_ =	sdelay $0x4  }
0x6b: {  	v59 =	vshrl.u32 v3, $0x3  }
0x6c: {  	v4 =	vmul.u32 $0x30, v59  }
0x6d: {  	v3 =	vand.u32 $0x7, v3  }
0x6e: {  	v3 =	vor.u32 v3, v4  }
0x6f: {  	v4 =	vperm.xlane v3, v0;
	_ =	sdelay $0x1  }
0x70: {  	v4 =	vadd.s32 v1, v4;
	_ =	sdelay $0x3  }
0x71: {  	s0 =	rddreg [dreg:$0x15];
	v3 =	vperm.xlane v3, v2  }
0x72: {  	[hbm4b:s3+s2] =	stream.indirect_vreg.scatter [tilespmem:s0], [sflag:$0x2], $0x80, v4, vm0, $0xb8;
	[tilespmem:$0x18080] =	vst v63  }
0x73: {  	s10 =	rddreg [dreg:$0x16];
	v3 =	vadd.s32 v1, v3  }
0x74: {  	[hbm4b:s4+s2] =	stream.indirect_vreg.scatter [tilespmem:s10], [sflag:$0x2], $0x80, v4, vm0, $0xb8;
	[tilespmem:$0x18080] =	vst v63  }
0x75: {  	s0 =	rddreg [dreg:$0x17]  }
0x76: {  	[hbm4b:s5+s2] =	stream.indirect_vreg.scatter [tilespmem:s0], [sflag:$0x2], $0x80, v4, vm0, $0xb8;
	[tilespmem:$0x18080] =	vst v63  }
0x77: {  	s10 =	rddreg [dreg:$0x18]  }
0x78: {  	[hbm4b:s3+s2] =	stream.indirect_vreg.scatter [tilespmem:s10], [sflag:$0x2], $0x80, v3, vm0, $0xb8;
	[tilespmem:$0x18080] =	vst v63  }
0x79: {  	s0 =	rddreg [dreg:$0x19]  }
0x7a: {  	[hbm4b:s4+s2] =	stream.indirect_vreg.scatter [tilespmem:s0], [sflag:$0x2], $0x80, v3, vm0, $0xb8;
	[tilespmem:$0x18080] =	vst v63  }
0x7b: {  	s10 =	rddreg [dreg:$0x1a]  }
0x7c: {  	[hbm4b:s5+s2] =	stream.indirect_vreg.scatter [tilespmem:s10], [sflag:$0x2], $0x80, v3, vm0, $0xb8;
	[tilespmem:$0x18080] =	vst v63  }
0x7d: {  	v3 =	vld [tilespmem:$0x40];
	_ =	sdelay $0x4  }
0x7e: {  	v60 =	vshrl.u32 v3, $0x3  }
0x7f: {  	v4 =	vmul.u32 $0x30, v60  }
0x80: {  	v3 =	vand.u32 $0x7, v3  }
0x81: {  	v3 =	vor.u32 v3, v4  }
0x82: {  	v4 =	vperm.xlane v3, v0;
	_ =	sdelay $0x1  }
0x83: {  	v4 =	vadd.s32 v1, v4;
	_ =	sdelay $0x3  }
0x84: {  	s0 =	rddreg [dreg:$0x1b];
	v3 =	vperm.xlane v3, v2  }
0x85: {  	[hbm4b:s3+s2] =	stream.indirect_vreg.scatter [tilespmem:s0], [sflag:$0x2], $0x80, v4, vm0, $0xb8;
	[tilespmem:$0x18080] =	vst v63  }
0x86: {  	s10 =	rddreg [dreg:$0x1c];
	v3 =	vadd.s32 v1, v3  }
0x87: {  	[hbm4b:s4+s2] =	stream.indirect_vreg.scatter [tilespmem:s10], [sflag:$0x2], $0x80, v4, vm0, $0xb8;
	[tilespmem:$0x18080] =	vst v63  }
0x88: {  	s0 =	rddreg [dreg:$0x1d]  }
0x89: {  	[hbm4b:s5+s2] =	stream.indirect_vreg.scatter [tilespmem:s0], [sflag:$0x2], $0x80, v4, vm0, $0xb8;
	[tilespmem:$0x18080] =	vst v63  }
0x8a: {  	s10 =	simm.s32 $0xD880  }
0x8b: {  	[hbm4b:s3+s2] =	stream.indirect_vreg.scatter [tilespmem:s10], [sflag:$0x2], $0x80, v3, vm0, $0xb8;
	[tilespmem:$0x18080] =	vst v63  }
0x8c: {  	_ = 	snop  }
0x8d: {  	[hbm4b:s4+s2] =	stream.indirect_vreg.scatter [tilespmem:s11], [sflag:$0x2], $0x80, v3, vm0, $0xb8;
	[tilespmem:$0x18080] =	vst v63  }
0x8e: {  	_ = 	snop  }
0x8f: {  	[hbm4b:s5+s2] =	stream.indirect_vreg.scatter [tilespmem:s12], [sflag:$0x2], $0x80, v3, vm0, $0xb8;
	[tilespmem:$0x18080] =	vst v63  }
0x90: {  	v3 =	vld [tilespmem:$0x50];
	_ =	sdelay $0x4  }
0x91: {  	v61 =	vshrl.u32 v3, $0x3  }
0x92: {  	v4 =	vmul.u32 $0x30, v61  }
0x93: {  	v3 =	vand.u32 $0x7, v3  }
0x94: {  	v3 =	vor.u32 v3, v4  }
0x95: {  	v4 =	vperm.xlane v3, v0;
	_ =	sdelay $0x1  }
0x96: {  	v4 =	vadd.s32 v1, v4;
	_ =	sdelay $0x3  }
0x97: {  	v3 =	vperm.xlane v3, v2  }
0x98: {  	[hbm4b:s3+s2] =	stream.indirect_vreg.scatter [tilespmem:s13], [sflag:$0x2], $0x80, v4, vm0, $0xb8;
	[tilespmem:$0x18080] =	vst v63  }
0x99: {  	v3 =	vadd.s32 v1, v3  }
0x9a: {  	[hbm4b:s4+s2] =	stream.indirect_vreg.scatter [tilespmem:s14], [sflag:$0x2], $0x80, v4, vm0, $0xb8;
	[tilespmem:$0x18080] =	vst v63  }
0x9b: {  	_ = 	snop  }
0x9c: {  	[hbm4b:s5+s2] =	stream.indirect_vreg.scatter [tilespmem:s15], [sflag:$0x2], $0x80, v4, vm0, $0xb8;
	[tilespmem:$0x18080] =	vst v63  }
0x9d: {  	_ = 	snop  }
0x9e: {  	[hbm4b:s3+s2] =	stream.indirect_vreg.scatter [tilespmem:s16], [sflag:$0x2], $0x80, v3, vm0, $0xb8;
	[tilespmem:$0x18080] =	vst v63  }
0x9f: {  	_ = 	snop  }
0xa0: {  	[hbm4b:s4+s2] =	stream.indirect_vreg.scatter [tilespmem:s17], [sflag:$0x2], $0x80, v3, vm0, $0xb8;
	[tilespmem:$0x18080] =	vst v63  }
0xa1: {  	_ = 	snop  }
0xa2: {  	[hbm4b:s5+s2] =	stream.indirect_vreg.scatter [tilespmem:s18], [sflag:$0x2], $0x80, v3, vm0, $0xb8;
	[tilespmem:$0x18080] =	vst v63  }
0xa3: {  	v3 =	vld [tilespmem:$0x60];
	_ =	sdelay $0x4  }
0xa4: {  	v62 =	vshrl.u32 v3, $0x3  }
0xa5: {  	v4 =	vmul.u32 $0x30, v62  }
0xa6: {  	v3 =	vand.u32 $0x7, v3  }
0xa7: {  	v3 =	vor.u32 v3, v4  }
0xa8: {  	v4 =	vperm.xlane v3, v0;
	_ =	sdelay $0x1  }
0xa9: {  	v4 =	vadd.s32 v1, v4;
	_ =	sdelay $0x3  }
0xaa: {  	v3 =	vperm.xlane v3, v2  }
0xab: {  	[hbm4b:s3+s2] =	stream.indirect_vreg.scatter [tilespmem:s19], [sflag:$0x2], $0x80, v4, vm0, $0xb8;
	[tilespmem:$0x18080] =	vst v63  }
0xac: {  	v3 =	vadd.s32 v1, v3  }
0xad: {  	[hbm4b:s4+s2] =	stream.indirect_vreg.scatter [tilespmem:s20], [sflag:$0x2], $0x80, v4, vm0, $0xb8;
	[tilespmem:$0x18080] =	vst v63  }
0xae: {  	_ = 	snop  }
0xaf: {  	[hbm4b:s5+s2] =	stream.indirect_vreg.scatter [tilespmem:s21], [sflag:$0x2], $0x80, v4, vm0, $0xb8;
	[tilespmem:$0x18080] =	vst v63  }
0xb0: {  	_ = 	snop  }
0xb1: {  	[hbm4b:s3+s2] =	stream.indirect_vreg.scatter [tilespmem:s22], [sflag:$0x2], $0x80, v3, vm0, $0xb8;
	[tilespmem:$0x18080] =	vst v63  }
0xb2: {  	_ = 	snop  }
0xb3: {  	[hbm4b:s4+s2] =	stream.indirect_vreg.scatter [tilespmem:s23], [sflag:$0x2], $0x80, v3, vm0, $0xb8;
	[tilespmem:$0x18080] =	vst v63  }
0xb4: {  	_ = 	snop  }
0xb5: {  	[hbm4b:s5+s2] =	stream.indirect_vreg.scatter [tilespmem:s24], [sflag:$0x2], $0x80, v3, vm0, $0xb8;
	[tilespmem:$0x18080] =	vst v63  }
0xb6: {  	v3 =	vld [tilespmem:$0x70];
	_ =	sdelay $0x4  }
0xb7: {  	v63 =	vshrl.u32 v3, $0x3  }
0xb8: {  	v4 =	vmul.u32 $0x30, v63  }
0xb9: {  	v3 =	vand.u32 $0x7, v3  }
0xba: {  	v3 =	vor.u32 v3, v4  }
0xbb: {  	v4 =	vperm.xlane v3, v0;
	_ =	sdelay $0x1  }
0xbc: {  	v4 =	vadd.s32 v1, v4;
	_ =	sdelay $0x3  }
0xbd: {  	v3 =	vperm.xlane v3, v2  }
0xbe: {  	[hbm4b:s3+s2] =	stream.indirect_vreg.scatter [tilespmem:s25], [sflag:$0x2], $0x80, v4, vm0, $0xb8;
	[tilespmem:$0x18080] =	vst v63  }
0xbf: {  	v3 =	vadd.s32 v1, v3  }
0xc0: {  	[hbm4b:s4+s2] =	stream.indirect_vreg.scatter [tilespmem:s26], [sflag:$0x2], $0x80, v4, vm0, $0xb8;
	[tilespmem:$0x18080] =	vst v63  }
0xc1: {  	_ = 	snop  }
0xc2: {  	[hbm4b:s5+s2] =	stream.indirect_vreg.scatter [tilespmem:s28], [sflag:$0x2], $0x80, v4, vm0, $0xb8;
	[tilespmem:$0x18080] =	vst v63  }
0xc3: {  	_ = 	snop  }
0xc4: {  	[hbm4b:s3+s2] =	stream.indirect_vreg.scatter [tilespmem:s29], [sflag:$0x2], $0x80, v3, vm0, $0xb8;
	[tilespmem:$0x18080] =	vst v63  }
0xc5: {  	p0 =	sne.s32 s6, $0x1  }
0xc6: {  	[hbm4b:s4+s2] =	stream.indirect_vreg.scatter [tilespmem:s30], [sflag:$0x2], $0x80, v3, vm0, $0xb8;
	[tilespmem:$0x18080] =	vst v63  }
.Ltmp0:
0xc7: {  	_ = 	snop;
	(pc) =	sbr.rel @p0 .LBB2_1-.Ltmp0, $4  }
0xc8: {  	[hbm4b:s5+s2] =	stream.indirect_vreg.scatter [tilespmem:s31], [sflag:$0x2], $0x80, v3, vm0, $0xb8;
	[tilespmem:$0x18080] =	vst v63  }
0xc9: {  	_ =	swait.ge [sflag:s1], $0x18000  }
0xca: {  	[sflag:s1] =	ssyncset.done $0x0  }
0xcb: {  	s6 =	sadd.s32 $0xFFFFFFFF, s6;
	[sflag:s1] =	ssyncadd.s32 $0xFFFE8000  }
0xcc: {  	_ =	sfence.sel $0x180000  }
0xcd: {  	[bflag:$0x0] =	sbarrier.arrive $0xFFFF  }
0xce: {  	_ =	strace $0x90000047  }
0xcf: {  	s0 =	stileid.u32;
	[bflag:$0x2] =	sbarrier.arrive $0xFFFF  }
0xd0: {  	p0 =	sne.s32 s0, $0x0;
	s0 =	rddreg [dreg:$0x1]  }
0xd1: {  	s0 =	sadd.s32 @!p0 $0x100000, s0  }
0xd2: {  	[sflag:s0] =	ssyncadd.tile.s32 @!p0 $0x1;
	_ =	shalt  }
.Lfunc_end2:
_tile_overlayer_lowered:
.L_overlay_start_2:
0xd3: {  	(tag) =	ssettag $0x2  }
0xd4: {  	s0 =	rddreg [dreg:$0x0];
	s2 =	stileid.u32  }
0xd5: {  	s1 =	rddreg [dreg:$0x1];
	p0 =	sne.s32 s2, $0x0  }
0xd6: {  	s3 =	rddreg [dreg:$0x2];
	[bflag:$0x3] =	sbarrier.arrive $0xFFFF;
	s2 =	simm.s32 @!p0 $0x1C03  }
0xd7: {  	[timem:s3], [sflag:s2] =	dma.local @!p0 [hbm:s0], s1  }
0xd8: {  	s0 =	simm.s32 @!p0 $0x3  }
0xd9: {  	_ =	swait.ge @!p0 [sflag:s0], s1  }
0xda: {  	s1 =	ssub.s32 @!p0 $0x0, s1;
	[sflag:s0] =	ssyncset.done @!p0 $0x0  }
0xdb: {  	[sflag:s0] =	ssyncadd.s32 @!p0 s1  }
0xdc: {  	[bflag:$0x3] =	sbarrier.arrive $0xFFFF  }
0xdd: {  	_ =	shalt  }

// kernel: kernel.14.cloned.1.call-start
scs
__scs_entry_jumppad:
0x0: {  	(pc) =	sbr.rel $0x88, $3  }
0x1: {  	(tag) =	ssettag $0x0;
	lr =	simm.s32 $0x1  }
0x2: {  	[smem:$0x3F97] =	sst lr;
	_ =	strace $0xD0000000  }
0x3: {  	_ = 	snop  }
0x4: {  	_ = 	snop  }
0x5: {  	_ = 	snop  }
0x6: {  	_ = 	snop  }
0x7: {  	_ = 	snop  }
__scs_overlays_trampoline_lowered:
0x8: {  	[smem:$0x3FA6] =	sst s0  }
0x9: {  	[smem:$0x3FA7] =	sst s1  }
0xa: {  	[smem:$0x3FA8] =	sst s2  }
0xb: {  	[smem:$0x3FA9] =	sst s3  }
0xc: {  	[smem:$0x3FAA] =	sst s4  }
0xd: {  	[smem:$0x3FAB] =	sst s5  }
0xe: {  	[smem:$0x3FAC] =	sst s6  }
0xf: {  	[smem:$0x3FAD] =	sst s7  }
0x10: {  	[smem:$0x3FAE] =	sst s8  }
0x11: {  	[smem:$0x3FAF] =	sst s9;
	s0 =	simm.s32 @!p0 $0x0  }
0x12: {  	s1 =	sld [smem:$0x3F95];
	s0 =	simm.s32 @p0 $0x1  }
0x13: {  	[smem:$0x3FB0] =	sst s0;
	s0 =	simm.s32 @!p1 $0x0  }
0x14: {  	s2 =	sld [smem:$0x3F94];
	s0 =	simm.s32 @p1 $0x1  }
0x15: {  	[smem:$0x3FB1] =	sst s0;
	s0 =	simm.s32 @!p2 $0x0  }
0x16: {  	s3 =	sld [smem:$0x3FDB];
	s0 =	simm.s32 @p2 $0x1  }
0x17: {  	s4 =	simm.s32 $0x1BF5;
	[smem:$0x3FB3] =	sst s0  }
0x18: {  	s0 =	sld [smem:$0x3F96];
	_ =	swait.ge [sflag:s4], $0x0  }
0x19: {  	s7 =	sld [smem:$0x3F97]  }
0x1a: {  	s8 =	sadd.s32 $0xFFFFE003, lr  }
0x1b: {  	s9 =	sadd.s32 $0xFFFFFEF7, lr;
	s5 =	simm.s32 $0xFFFFFFFF;
	p2 =	slt.u32 s8, $0xFFFFF086  }
0x1c: {  	p1 =	slt.u32 s9, $0xF7A;
	s5 =	simm.s32 @!p2 $0x0  }
0x1d: {  	s5 =	simm.s32 @p1 $0x1;
	p0 =	seq.s32 s7, s2  }
0x1e: {  	s7 =	smul.u32 @!p0 $0xF7A, s2;
	p2 =	seq.s32 @!p0 s5, $0x0  }
0x1f: {  	s9 =	smul.u32 $0xF7A, s1;
	s8 =	simm.s32 @!p0 $0x1BF5;
	p2 =	por !p2, p0  }
0x20: {  	[sflag:s8] =	ssyncset.s32 @!p0 $0xFFFFF086;
	s6 =	sadd.s32 @!p0 s3, s7;
	s7 =	simm.s32 @!p0 $0x108  }
0x21: {  	s3 =	sadd.s32 s3, s9;
	s6 =	sadd.s32 @!p0 $0x88, s6;
	s7 =	simm.s32 @p2 $0x1082  }
0x22: {  	[simem:s7], [sflag:s8] =	dma.local @!p0 [hbm:s6], $0xF7A  }
0x23: {  	s9 =	sor.u32 $0xD0000000, s2;
	s6 =	simm.s32 $0x108;
	_ =	swait.ge @!p0 [sflag:s8], $0x0  }
0x24: {  	s3 =	sadd.s32 $0x88, s3;
	s6 =	simm.s32 @!p1 $0x1082;
	[sflag:s4] =	ssyncset.s32 $0xFFFFF086  }
0x25: {  	[simem:s6], [sflag:s4] =	dma.local [hbm:s3], $0xF7A  }
0x26: {  	[smem:$0x3F97] =	sst s1;
	(tag) =	ssettag s2;
	_ =	strace s9  }
0x27: {  	s1 =	sld [smem:$0x3FA7]  }
0x28: {  	s2 =	sld [smem:$0x3FA8]  }
0x29: {  	s4 =	sld [smem:$0x3FAA]  }
0x2a: {  	p0 =	seq.s32 s5, $0x0;
	s5 =	sld [smem:$0x3FAB]  }
0x2b: {  	s6 =	sld [smem:$0x3FAC]  }
0x2c: {  	s7 =	sld [smem:$0x3FAD]  }
0x2d: {  	s3 =	simm.s32 $0x108;
	s8 =	sld [smem:$0x3FAE]  }
0x2e: {  	s3 =	simm.s32 @!p0 $0x1082;
	s9 =	sld [smem:$0x3FAF]  }
0x2f: {  	lr =	sadd.s32 s0, s3;
	s0 =	sld [smem:$0x3FA6]  }
0x30: {  	s3 =	sld [smem:$0x3FA9]  }
0x31: {  	[smem:$0x3FB2] =	sst s10  }
0x32: {  	s10 =	sld [smem:$0x3FB0];
	_ =	sdelay $0x3  }
0x33: {  	p0 =	seq.s32 s10, $0x1;
	s10 =	sld [smem:$0x3FB2];
	_ =	sdelay $0x3  }
0x34: {  	[smem:$0x3FB2] =	sst s10  }
0x35: {  	s10 =	sld [smem:$0x3FB1];
	_ =	sdelay $0x3  }
0x36: {  	p1 =	seq.s32 s10, $0x1;
	s10 =	sld [smem:$0x3FB2];
	_ =	sdelay $0x3  }
0x37: {  	[smem:$0x3FB2] =	sst s10  }
0x38: {  	s10 =	sld [smem:$0x3FB3]  }
0x39: {  	_ = 	snop;
	(pc) =	sbr.ind lr, $3  }
0x3a: {  	_ = 	snop  }
0x3b: {  	_ = 	snop  }
0x3c: {  	p2 =	seq.s32 s10, $0x1;
	s10 =	sld [smem:$0x3FB2]  }
0x3d: {  	_ =	shalt  }
0x3e: {  	_ =	shalt  }
0x3f: {  	_ =	shalt  }
0x40: {  	_ =	shalt  }
0x41: {  	_ =	shalt  }
0x42: {  	_ =	shalt  }
0x43: {  	_ =	shalt  }
0x44: {  	_ =	shalt  }
0x45: {  	_ =	shalt  }
0x46: {  	_ =	shalt  }
0x47: {  	_ =	shalt  }
0x48: {  	_ =	shalt  }
0x49: {  	_ =	shalt  }
0x4a: {  	_ =	shalt  }
0x4b: {  	_ =	shalt  }
0x4c: {  	_ =	shalt  }
0x4d: {  	_ =	shalt  }
0x4e: {  	_ =	shalt  }
0x4f: {  	_ =	shalt  }
0x50: {  	_ =	shalt  }
0x51: {  	_ =	shalt  }
0x52: {  	_ =	shalt  }
0x53: {  	_ =	shalt  }
0x54: {  	_ =	shalt  }
0x55: {  	_ =	shalt  }
0x56: {  	_ =	shalt  }
0x57: {  	_ =	shalt  }
0x58: {  	_ =	shalt  }
0x59: {  	_ =	shalt  }
0x5a: {  	_ =	shalt  }
0x5b: {  	_ =	shalt  }
0x5c: {  	_ =	shalt  }
0x5d: {  	_ =	shalt  }
0x5e: {  	_ =	shalt  }
0x5f: {  	_ =	shalt  }
0x60: {  	_ =	shalt  }
0x61: {  	_ =	shalt  }
0x62: {  	_ =	shalt  }
0x63: {  	_ =	shalt  }
0x64: {  	_ =	shalt  }
0x65: {  	_ =	shalt  }
0x66: {  	_ =	shalt  }
0x67: {  	_ =	shalt  }
0x68: {  	_ =	shalt  }
0x69: {  	_ =	shalt  }
0x6a: {  	_ =	shalt  }
0x6b: {  	_ =	shalt  }
0x6c: {  	_ =	shalt  }
0x6d: {  	_ =	shalt  }
0x6e: {  	_ =	shalt  }
0x6f: {  	_ =	shalt  }
0x70: {  	_ =	shalt  }
0x71: {  	_ =	shalt  }
0x72: {  	_ =	shalt  }
0x73: {  	_ =	shalt  }
0x74: {  	_ =	shalt  }
0x75: {  	_ =	shalt  }
0x76: {  	_ =	shalt  }
0x77: {  	_ =	shalt  }
0x78: {  	_ =	shalt  }
0x79: {  	_ =	shalt  }
0x7a: {  	_ =	shalt  }
0x7b: {  	_ =	shalt  }
0x7c: {  	_ =	shalt  }
0x7d: {  	_ =	shalt  }
0x7e: {  	_ =	shalt  }
0x7f: {  	_ =	shalt  }
0x80: {  	_ =	shalt  }
0x81: {  	_ =	shalt  }
0x82: {  	_ =	shalt  }
0x83: {  	_ =	shalt  }
0x84: {  	_ =	shalt  }
0x85: {  	_ =	shalt  }
0x86: {  	_ =	shalt  }
0x87: {  	_ =	shalt  }
.Lfunc_end0:
.L_simem_size_0:
called_computation.1_lowered:
.L_overlay_start_0:
0x88: {  	s2 =	sld [smem:$0x3FD9]  }
0x89: {  	s3 =	sld [smem:$0x3FFE];
	_ =	sdelay $0x1  }
0x8a: {  	s1 =	srdreg.scid  }
0x8b: {  	s0 =	sand.u32 $0x1, s1  }
0x8c: {  	s16 =	sshll.u32 s0, $0xA;
	s2 =	sadd.s32 s3, s2  }
0x8d: {  	s2 =	sadd.s32 s2, s16  }
0x8e: {  	[smem:$0x3FBE] =	sst s2  }
0x8f: {  	_ = 	snop  }
0x90: {  	(tm) =	ssettm $0x1  }
0x91: {  	s17 =	sld [smem:$0x3FFB];
	_ =	sdelay $0x3  }
0x92: {  	_ =	strace s17  }
0x93: {  	s2 =	sld [smem:$0x3FFC];
	_ =	sdelay $0x3  }
0x94: {  	_ =	strace s2  }
0x95: {  	s2 =	sld [smem:$0x3FFD];
	_ =	sdelay $0x3  }
0x96: {  	_ =	strace s2  }
0x97: {  	_ =	strace $0x8FFFFFFF  }
0x98: {  	s18 =	sld [smem:$0x3FDB];
	_ =	sdelay $0x1  }
0x99: {  	s19 =	simm.s32 $_scs_section_size  }
0x9a: {  	s4 =	simm.s32 $_size__tile_overlayer_lowered;
	s5 =	simm.s32 $_tile_overlayer_lowered  }
0x9b: {  	s22 =	simm.s32 $0x1BFF;
	s21 =	sshll.u32 s5, $0x1;
	s2 =	sadd.s32 s19, s18  }
0x9c: {  	s6 =	simm.s32 $0x0;
	s20 =	sshll.u32 s4, $0x1;
	s4 =	sadd.s32 s21, s2  }
0x9d: {  	[timem:s6], [sflag:s22] =	dma.local [hbm:s4], s20  }
0x9e: {  	_ =	swait.ge [sflag:s22], s20  }
0x9f: {  	s3 =	ssub.s32 $0x0, s20;
	[sflag:s22] =	ssyncset.done $0x0  }
0xa0: {  	[sflag:s22] =	ssyncadd.s32 s3;
	_ =	sdelay $0x1  }
0xa1: {  	s23 =	simm.s32 $0x1B8B  }
0xa2: {  	_ =	swait.ge [sflag:s23], $0x1  }
0xa3: {  	[sflag:s23] =	ssyncset.done $0x0  }
0xa4: {  	s25 =	simm.s32 $0x1B8E;
	s24 =	sld [smem:$0x3FFE];
	[sflag:s23] =	ssyncadd.s32 $0xFFFFFFFF  }
0xa5: {  	s26 =	simm.s32 $execute0_lowered;
	[smem:$0x3FD2] =	sst s25  }
0xa6: {  	s4 =	sshll.u32 s26, $0x1;
	_ =	strace $0x80000049;
	[dreg:$0x1] =	wrdreg $0xFFFFFFFF  }
0xa7: {  	s28 =	simm.s32 $_size_execute0_lowered;
	s2 =	sadd.s32 s2, s4;
	[dreg:$0x0] =	wrdreg $0x0  }
0xa8: {  	s4 =	sshll.u32 s28, $0x1;
	[dreg:$0x2] =	wrdreg s2  }
0xa9: {  	[dreg:$0x3] =	wrdreg s4  }
0xaa: {  	[dreg:$0x4] =	wrdreg $0xC0  }
0xab: {  	_ =	task [dreg:s6], $0x5FFFF  }
0xac: {  	[dreg:$0x1] =	wrdreg $0xFFFFFFFF  }
0xad: {  	[dreg:$0x0] =	wrdreg $0x60  }
0xae: {  	[dreg:$0x2] =	wrdreg s24  }
0xaf: {  	[dreg:$0x3] =	wrdreg $0x9  }
0xb0: {  	_ =	task.clear_ibuf [dreg:s6], $0x4FFFF;
	_ =	strace $0x90000049  }
0xb1: {  	s29 =	simm.s32 $0x9;
	_ =	strace $0x8000004B  }
0xb2: {  	_ =	swait.ge [sflag:s29], $0x1  }
0xb3: {  	[sflag:s29] =	ssyncadd.s32 $0xFFFFFFFF  }
0xb4: {  	_ =	strace $0x9000004B  }
0xb5: {  	_ =	sfence  }
0xb6: {  	s30 =	sld [smem:$0x0];
	_ =	sdelay $0x2  }
0xb7: {  	s31 =	sshll.u32 s1, $0xD;
	s1 =	sshrl.u32 s1, $0x2  }
0xb8: {  	s3 =	sand.u32 $0x4000, s31;
	s1 =	sadd.s32 s1, s30  }
0xb9: {  	s0 =	sor.u32 s3, s0;
	s1 =	sshll.u32 s1, $0x11  }
0xba: {  	s0 =	sor.u32 s1, s0  }
0xbb: {  	s0 =	sadd.s32 $0x8F2B, s0  }
0xbc: {  	[sflag:s0] =	ssyncadd.remote.s32 $0x1  }
0xbd: {  	_ =	sfence.sel $0xFFFF  }
0xbe: {  	[dreg:$0x0] =	wrdreg $0xFFFFFFFF;
	(pc) =	sbr.abs _section_cstart, $3  }
0xbf: {  	[dreg:$0x1] =	wrdreg $0xFFFFFFFF  }
0xc0: {  	_ =	task.clear_ibuf [dreg:s6], $0x2FFFF;
	_ =	strace $0x9FFFFFFF  }
0xc1: {  	(tm) =	ssettm $0x7FFFFFFF  }
tec
execute0_lowered:
.L_overlay_start_1:
0x0: {  	(tag) =	ssettag $0x1  }
0x1: {  	s1 =	srdreg.scid  }
0x2: {  	s0 =	stileid.u32;
	s1 =	sand.u32 $0x1, s1  }
0x3: {  	s2 =	sshll.u32 s0, $0x5;
	s3 =	sshll.u32 s1, $0x4  }
0x4: {  	s5 =	rddreg [dreg:$0x0];
	s3 =	sor.u32 s3, s2;
	s2 =	simm.s32 $0x0  }
0x5: {  	s26 =	simm.s32 $0x880;
	[smem:$0x7FF] =	sst s2  }
0x6: {  	s0 =	simm.s32 $0x1080;
	_ =	strace $0x8000004A;
	[dreg:$0x4] =	wrdreg s26  }
0x7: {  	s6 =	simm.s32 $0x2080;
	[dreg:$0x5] =	wrdreg s0  }
0x8: {  	s7 =	simm.s32 $0x2880;
	[dreg:$0x7] =	wrdreg s6  }
0x9: {  	s8 =	simm.s32 $0x3080;
	[dreg:$0x8] =	wrdreg s7  }
0xa: {  	s9 =	simm.s32 $0x3880;
	[dreg:$0x9] =	wrdreg s8  }
0xb: {  	s10 =	simm.s32 $0x4080;
	[dreg:$0xa] =	wrdreg s9  }
0xc: {  	s11 =	simm.s32 $0x4880;
	[dreg:$0xb] =	wrdreg s10  }
0xd: {  	s12 =	simm.s32 $0x5080;
	[dreg:$0xc] =	wrdreg s11  }
0xe: {  	s13 =	simm.s32 $0x5880;
	[dreg:$0xd] =	wrdreg s12  }
0xf: {  	s14 =	simm.s32 $0x6080;
	[dreg:$0xe] =	wrdreg s13  }
0x10: {  	s15 =	simm.s32 $0x6880;
	[dreg:$0xf] =	wrdreg s14  }
0x11: {  	s16 =	simm.s32 $0x7080;
	[dreg:$0x10] =	wrdreg s15  }
0x12: {  	s17 =	simm.s32 $0x7880;
	s18 =	simm.s32 $0x8080;
	[dreg:$0x11] =	wrdreg s16  }
0x13: {  	s19 =	simm.s32 $0x8880;
	s20 =	simm.s32 $0x9080;
	[dreg:$0x12] =	wrdreg s17  }
0x14: {  	s21 =	simm.s32 $0x9880;
	s22 =	simm.s32 $0xA080;
	[dreg:$0x13] =	wrdreg s18  }
0x15: {  	s23 =	simm.s32 $0xA880;
	s24 =	simm.s32 $0xB880;
	[dreg:$0x14] =	wrdreg s19  }
0x16: {  	s28 =	simm.s32 $0x16080;
	s29 =	simm.s32 $0x16880;
	[dreg:$0x15] =	wrdreg s20  }
0x17: {  	s30 =	simm.s32 $0x17080;
	s31 =	simm.s32 $0x17880;
	[dreg:$0x16] =	wrdreg s21  }
0x18: {  	s4 =	smul.u32 $0x300, s3;
	s3 =	sadd.s32 s3, s5;
	[dreg:$0x17] =	wrdreg s22  }
0x19: {  	s1 =	ssub.s32 $0x2, s1;
	s3 =	sadd.s32 $0xDBC00, s3;
	[dreg:$0x18] =	wrdreg s23  }
0x1a: {  	s6 =	sshrl.u32 s1, $0x1;
	s7 =	simm.s32 $0xB080;
	[dreg:$0x1a] =	wrdreg s24  }
0x1b: {  	s8 =	simm.s32 $0x80;
	s26 =	simm.s32 $0xC880;
	s10 =	simm.s32 $0xD880  }
0x1c: {  	s11 =	simm.s32 $0xE080;
	s12 =	simm.s32 $0xE880;
	s13 =	simm.s32 $0xF080  }
0x1d: {  	s14 =	simm.s32 $0xF880;
	s15 =	simm.s32 $0x10080;
	s16 =	simm.s32 $0x10880  }
0x1e: {  	s17 =	simm.s32 $0x11080;
	s18 =	simm.s32 $0x11880;
	s19 =	simm.s32 $0x12080  }
0x1f: {  	s20 =	simm.s32 $0x12880;
	s21 =	simm.s32 $0x13080;
	s22 =	simm.s32 $0x13880  }
0x20: {  	s23 =	simm.s32 $0x14080;
	s24 =	simm.s32 $0x14880;
	[dreg:$0x2] =	wrdreg s3  }
0x21: {  	s4 =	sadd.s32 s4, s5;
	s3 =	sadd.s32 $0x61C00, s5;
	[dreg:$0x19] =	wrdreg s7  }
0x22: {  	s1 =	ssub.s32 s1, s6;
	s7 =	simm.s32 $0x2;
	[dreg:$0x1c] =	wrdreg s26  }
0x23: {  	s26 =	simm.s32 $0x15880;
	s25 =	sadd.s32 $0xDBE00, s4;
	s4 =	simm.s32 $0x1880  }
0x24: {  	v2 =	vlaneseq.u32;
	s6 =	smax.u32 s1, $0x1;
	s1 =	simm.s32 $0x1;
	[dreg:$0x3] =	wrdreg s25  }
0x25: {  	vm0 =	vmmov $0xffff;
	v1 =	vshrl.u32 v2, $0x3;
	[dreg:$0x6] =	wrdreg s4;
	s4 =	sadd.s32 $0x61D00, s5;
	s25 =	simm.s32 $0xC080  }
0x26: {  	v0 =	vand.u32 $0x7, v2;
	v2 =	vor.u32 $0x8, v2;
	v1 =	vmul.u32 $0x8, v1;
	s5 =	sadd.s32 $0x61E00, s5;
	[dreg:$0x1b] =	wrdreg s25;
	s25 =	simm.s32 $0x15080  }
.LBB2_1:
0x27: {  	s0 =	rddreg [dreg:$0x2]  }
0x28: {  	[tilespmem:s2], [sflag:$0x2] =	stream.linear.gather [hbm4b:s0+s2], $0x80, $0x38;
	[tilespmem:$0x18080] =	vst v63  }
0x29: {  	_ =	swait.ge [sflag:s7], $0x80  }
0x2a: {  	[sflag:s7] =	ssyncset.done $0x0  }
0x2b: {  	[sflag:s7] =	ssyncadd.s32 $0xFFFFFF80  }
0x2c: {  	v3 =	vld [tilespmem:$0x0];
	_ =	sdelay $0x4  }
0x2d: {  	v4 =	vshrl.u32 v3, $0x3  }
0x2e: {  	v4 =	vmul.u32 $0x30, v4  }
0x2f: {  	v3 =	vand.u32 $0x7, v3  }
0x30: {  	v3 =	vor.u32 v3, v4  }
0x31: {  	v4 =	vperm.xlane v3, v0;
	_ =	sdelay $0x1  }
0x32: {  	v4 =	vadd.s32 v1, v4;
	_ =	sdelay $0x3  }
0x33: {  	v3 =	vperm.xlane v3, v2  }
0x34: {  	[tilespmem:s8], [sflag:$0x1] =	stream.indirect_vreg.gather [hbm4b:s3+s2], $0x80, v4, vm0, $0xb8;
	[tilespmem:$0x18080] =	vst v63  }
0x35: {  	s0 =	rddreg [dreg:$0x4];
	v3 =	vadd.s32 v1, v3  }
0x36: {  	[tilespmem:s0], [sflag:$0x1] =	stream.indirect_vreg.gather [hbm4b:s4+s2], $0x80, v4, vm0, $0xb8;
	[tilespmem:$0x18080] =	vst v63  }
0x37: {  	s9 =	rddreg [dreg:$0x5]  }
0x38: {  	[tilespmem:s9], [sflag:$0x1] =	stream.indirect_vreg.gather [hbm4b:s5+s2], $0x80, v4, vm0, $0xb8;
	[tilespmem:$0x18080] =	vst v63  }
0x39: {  	s0 =	rddreg [dreg:$0x6]  }
0x3a: {  	[tilespmem:s0], [sflag:$0x1] =	stream.indirect_vreg.gather [hbm4b:s3+s2], $0x80, v3, vm0, $0xb8;
	[tilespmem:$0x18080] =	vst v63  }
0x3b: {  	s9 =	rddreg [dreg:$0x7]  }
0x3c: {  	[tilespmem:s9], [sflag:$0x1] =	stream.indirect_vreg.gather [hbm4b:s4+s2], $0x80, v3, vm0, $0xb8;
	[tilespmem:$0x18080] =	vst v63  }
0x3d: {  	s0 =	rddreg [dreg:$0x8]  }
0x3e: {  	[tilespmem:s0], [sflag:$0x1] =	stream.indirect_vreg.gather [hbm4b:s5+s2], $0x80, v3, vm0, $0xb8;
	[tilespmem:$0x18080] =	vst v63  }
0x3f: {  	v3 =	vld [tilespmem:$0x10];
	_ =	sdelay $0x4  }
0x40: {  	v57 =	vshrl.u32 v3, $0x3  }
0x41: {  	v4 =	vmul.u32 $0x30, v57  }
0x42: {  	v3 =	vand.u32 $0x7, v3  }
0x43: {  	v3 =	vor.u32 v3, v4  }
0x44: {  	v4 =	vperm.xlane v3, v0;
	_ =	sdelay $0x1  }
0x45: {  	v4 =	vadd.s32 v1, v4;
	_ =	sdelay $0x3  }
0x46: {  	s0 =	rddreg [dreg:$0x9];
	v3 =	vperm.xlane v3, v2  }
0x47: {  	[tilespmem:s0], [sflag:$0x1] =	stream.indirect_vreg.gather [hbm4b:s3+s2], $0x80, v4, vm0, $0xb8;
	[tilespmem:$0x18080] =	vst v63  }
0x48: {  	s9 =	rddreg [dreg:$0xa];
	v3 =	vadd.s32 v1, v3  }
0x49: {  	[tilespmem:s9], [sflag:$0x1] =	stream.indirect_vreg.gather [hbm4b:s4+s2], $0x80, v4, vm0, $0xb8;
	[tilespmem:$0x18080] =	vst v63  }
0x4a: {  	s0 =	rddreg [dreg:$0xb]  }
0x4b: {  	[tilespmem:s0], [sflag:$0x1] =	stream.indirect_vreg.gather [hbm4b:s5+s2], $0x80, v4, vm0, $0xb8;
	[tilespmem:$0x18080] =	vst v63  }
0x4c: {  	s9 =	rddreg [dreg:$0xc]  }
0x4d: {  	[tilespmem:s9], [sflag:$0x1] =	stream.indirect_vreg.gather [hbm4b:s3+s2], $0x80, v3, vm0, $0xb8;
	[tilespmem:$0x18080] =	vst v63  }
0x4e: {  	s0 =	rddreg [dreg:$0xd]  }
0x4f: {  	[tilespmem:s0], [sflag:$0x1] =	stream.indirect_vreg.gather [hbm4b:s4+s2], $0x80, v3, vm0, $0xb8;
	[tilespmem:$0x18080] =	vst v63  }
0x50: {  	s9 =	rddreg [dreg:$0xe]  }
0x51: {  	[tilespmem:s9], [sflag:$0x1] =	stream.indirect_vreg.gather [hbm4b:s5+s2], $0x80, v3, vm0, $0xb8;
	[tilespmem:$0x18080] =	vst v63  }
0x52: {  	v3 =	vld [tilespmem:$0x20];
	_ =	sdelay $0x4  }
0x53: {  	v58 =	vshrl.u32 v3, $0x3  }
0x54: {  	v4 =	vmul.u32 $0x30, v58  }
0x55: {  	v3 =	vand.u32 $0x7, v3  }
0x56: {  	v3 =	vor.u32 v3, v4  }
0x57: {  	v4 =	vperm.xlane v3, v0;
	_ =	sdelay $0x1  }
0x58: {  	v4 =	vadd.s32 v1, v4;
	_ =	sdelay $0x3  }
0x59: {  	s0 =	rddreg [dreg:$0xf];
	v3 =	vperm.xlane v3, v2  }
0x5a: {  	[tilespmem:s0], [sflag:$0x1] =	stream.indirect_vreg.gather [hbm4b:s3+s2], $0x80, v4, vm0, $0xb8;
	[tilespmem:$0x18080] =	vst v63  }
0x5b: {  	s9 =	rddreg [dreg:$0x10];
	v3 =	vadd.s32 v1, v3  }
0x5c: {  	[tilespmem:s9], [sflag:$0x1] =	stream.indirect_vreg.gather [hbm4b:s4+s2], $0x80, v4, vm0, $0xb8;
	[tilespmem:$0x18080] =	vst v63  }
0x5d: {  	s0 =	rddreg [dreg:$0x11]  }
0x5e: {  	[tilespmem:s0], [sflag:$0x1] =	stream.indirect_vreg.gather [hbm4b:s5+s2], $0x80, v4, vm0, $0xb8;
	[tilespmem:$0x18080] =	vst v63  }
0x5f: {  	s9 =	rddreg [dreg:$0x12]  }
0x60: {  	[tilespmem:s9], [sflag:$0x1] =	stream.indirect_vreg.gather [hbm4b:s3+s2], $0x80, v3, vm0, $0xb8;
	[tilespmem:$0x18080] =	vst v63  }
0x61: {  	s0 =	rddreg [dreg:$0x13]  }
0x62: {  	[tilespmem:s0], [sflag:$0x1] =	stream.indirect_vreg.gather [hbm4b:s4+s2], $0x80, v3, vm0, $0xb8;
	[tilespmem:$0x18080] =	vst v63  }
0x63: {  	s9 =	rddreg [dreg:$0x14]  }
0x64: {  	[tilespmem:s9], [sflag:$0x1] =	stream.indirect_vreg.gather [hbm4b:s5+s2], $0x80, v3, vm0, $0xb8;
	[tilespmem:$0x18080] =	vst v63  }
0x65: {  	v3 =	vld [tilespmem:$0x30];
	_ =	sdelay $0x4  }
0x66: {  	v59 =	vshrl.u32 v3, $0x3  }
0x67: {  	v4 =	vmul.u32 $0x30, v59  }
0x68: {  	v3 =	vand.u32 $0x7, v3  }
0x69: {  	v3 =	vor.u32 v3, v4  }
0x6a: {  	v4 =	vperm.xlane v3, v0;
	_ =	sdelay $0x1  }
0x6b: {  	v4 =	vadd.s32 v1, v4;
	_ =	sdelay $0x3  }
0x6c: {  	s0 =	rddreg [dreg:$0x15];
	v3 =	vperm.xlane v3, v2  }
0x6d: {  	[tilespmem:s0], [sflag:$0x1] =	stream.indirect_vreg.gather [hbm4b:s3+s2], $0x80, v4, vm0, $0xb8;
	[tilespmem:$0x18080] =	vst v63  }
0x6e: {  	s9 =	rddreg [dreg:$0x16];
	v3 =	vadd.s32 v1, v3  }
0x6f: {  	[tilespmem:s9], [sflag:$0x1] =	stream.indirect_vreg.gather [hbm4b:s4+s2], $0x80, v4, vm0, $0xb8;
	[tilespmem:$0x18080] =	vst v63  }
0x70: {  	s0 =	rddreg [dreg:$0x17]  }
0x71: {  	[tilespmem:s0], [sflag:$0x1] =	stream.indirect_vreg.gather [hbm4b:s5+s2], $0x80, v4, vm0, $0xb8;
	[tilespmem:$0x18080] =	vst v63  }
0x72: {  	s9 =	rddreg [dreg:$0x18]  }
0x73: {  	[tilespmem:s9], [sflag:$0x1] =	stream.indirect_vreg.gather [hbm4b:s3+s2], $0x80, v3, vm0, $0xb8;
	[tilespmem:$0x18080] =	vst v63  }
0x74: {  	s0 =	rddreg [dreg:$0x19]  }
0x75: {  	[tilespmem:s0], [sflag:$0x1] =	stream.indirect_vreg.gather [hbm4b:s4+s2], $0x80, v3, vm0, $0xb8;
	[tilespmem:$0x18080] =	vst v63  }
0x76: {  	s9 =	rddreg [dreg:$0x1a]  }
0x77: {  	[tilespmem:s9], [sflag:$0x1] =	stream.indirect_vreg.gather [hbm4b:s5+s2], $0x80, v3, vm0, $0xb8;
	[tilespmem:$0x18080] =	vst v63  }
0x78: {  	v3 =	vld [tilespmem:$0x40];
	_ =	sdelay $0x4  }
0x79: {  	v60 =	vshrl.u32 v3, $0x3  }
0x7a: {  	v4 =	vmul.u32 $0x30, v60  }
0x7b: {  	v3 =	vand.u32 $0x7, v3  }
0x7c: {  	v3 =	vor.u32 v3, v4  }
0x7d: {  	v4 =	vperm.xlane v3, v0;
	_ =	sdelay $0x1  }
0x7e: {  	v4 =	vadd.s32 v1, v4;
	_ =	sdelay $0x3  }
0x7f: {  	s0 =	rddreg [dreg:$0x1b];
	v3 =	vperm.xlane v3, v2  }
0x80: {  	[tilespmem:s0], [sflag:$0x1] =	stream.indirect_vreg.gather [hbm4b:s3+s2], $0x80, v4, vm0, $0xb8;
	[tilespmem:$0x18080] =	vst v63  }
0x81: {  	s9 =	rddreg [dreg:$0x1c];
	v3 =	vadd.s32 v1, v3  }
0x82: {  	[tilespmem:s9], [sflag:$0x1] =	stream.indirect_vreg.gather [hbm4b:s4+s2], $0x80, v4, vm0, $0xb8;
	[tilespmem:$0x18080] =	vst v63  }
0x83: {  	s9 =	simm.s32 $0xD080  }
0x84: {  	[tilespmem:s9], [sflag:$0x1] =	stream.indirect_vreg.gather [hbm4b:s5+s2], $0x80, v4, vm0, $0xb8;
	[tilespmem:$0x18080] =	vst v63  }
0x85: {  	_ = 	snop  }
0x86: {  	[tilespmem:s10], [sflag:$0x1] =	stream.indirect_vreg.gather [hbm4b:s3+s2], $0x80, v3, vm0, $0xb8;
	[tilespmem:$0x18080] =	vst v63  }
0x87: {  	_ = 	snop  }
0x88: {  	[tilespmem:s11], [sflag:$0x1] =	stream.indirect_vreg.gather [hbm4b:s4+s2], $0x80, v3, vm0, $0xb8;
	[tilespmem:$0x18080] =	vst v63  }
0x89: {  	_ = 	snop  }
0x8a: {  	[tilespmem:s12], [sflag:$0x1] =	stream.indirect_vreg.gather [hbm4b:s5+s2], $0x80, v3, vm0, $0xb8;
	[tilespmem:$0x18080] =	vst v63  }
0x8b: {  	v3 =	vld [tilespmem:$0x50];
	_ =	sdelay $0x4  }
0x8c: {  	v61 =	vshrl.u32 v3, $0x3  }
0x8d: {  	v4 =	vmul.u32 $0x30, v61  }
0x8e: {  	v3 =	vand.u32 $0x7, v3  }
0x8f: {  	v3 =	vor.u32 v3, v4  }
0x90: {  	v4 =	vperm.xlane v3, v0;
	_ =	sdelay $0x1  }
0x91: {  	v4 =	vadd.s32 v1, v4;
	_ =	sdelay $0x3  }
0x92: {  	v3 =	vperm.xlane v3, v2  }
0x93: {  	[tilespmem:s13], [sflag:$0x1] =	stream.indirect_vreg.gather [hbm4b:s3+s2], $0x80, v4, vm0, $0xb8;
	[tilespmem:$0x18080] =	vst v63  }
0x94: {  	v3 =	vadd.s32 v1, v3  }
0x95: {  	[tilespmem:s14], [sflag:$0x1] =	stream.indirect_vreg.gather [hbm4b:s4+s2], $0x80, v4, vm0, $0xb8;
	[tilespmem:$0x18080] =	vst v63  }
0x96: {  	_ = 	snop  }
0x97: {  	[tilespmem:s15], [sflag:$0x1] =	stream.indirect_vreg.gather [hbm4b:s5+s2], $0x80, v4, vm0, $0xb8;
	[tilespmem:$0x18080] =	vst v63  }
0x98: {  	_ = 	snop  }
0x99: {  	[tilespmem:s16], [sflag:$0x1] =	stream.indirect_vreg.gather [hbm4b:s3+s2], $0x80, v3, vm0, $0xb8;
	[tilespmem:$0x18080] =	vst v63  }
0x9a: {  	_ = 	snop  }
0x9b: {  	[tilespmem:s17], [sflag:$0x1] =	stream.indirect_vreg.gather [hbm4b:s4+s2], $0x80, v3, vm0, $0xb8;
	[tilespmem:$0x18080] =	vst v63  }
0x9c: {  	_ = 	snop  }
0x9d: {  	[tilespmem:s18], [sflag:$0x1] =	stream.indirect_vreg.gather [hbm4b:s5+s2], $0x80, v3, vm0, $0xb8;
	[tilespmem:$0x18080] =	vst v63  }
0x9e: {  	v3 =	vld [tilespmem:$0x60];
	_ =	sdelay $0x4  }
0x9f: {  	v62 =	vshrl.u32 v3, $0x3  }
0xa0: {  	v4 =	vmul.u32 $0x30, v62  }
0xa1: {  	v3 =	vand.u32 $0x7, v3  }
0xa2: {  	v3 =	vor.u32 v3, v4  }
0xa3: {  	v4 =	vperm.xlane v3, v0;
	_ =	sdelay $0x1  }
0xa4: {  	v4 =	vadd.s32 v1, v4;
	_ =	sdelay $0x3  }
0xa5: {  	v3 =	vperm.xlane v3, v2  }
0xa6: {  	[tilespmem:s19], [sflag:$0x1] =	stream.indirect_vreg.gather [hbm4b:s3+s2], $0x80, v4, vm0, $0xb8;
	[tilespmem:$0x18080] =	vst v63  }
0xa7: {  	v3 =	vadd.s32 v1, v3  }
0xa8: {  	[tilespmem:s20], [sflag:$0x1] =	stream.indirect_vreg.gather [hbm4b:s4+s2], $0x80, v4, vm0, $0xb8;
	[tilespmem:$0x18080] =	vst v63  }
0xa9: {  	_ = 	snop  }
0xaa: {  	[tilespmem:s21], [sflag:$0x1] =	stream.indirect_vreg.gather [hbm4b:s5+s2], $0x80, v4, vm0, $0xb8;
	[tilespmem:$0x18080] =	vst v63  }
0xab: {  	_ = 	snop  }
0xac: {  	[tilespmem:s22], [sflag:$0x1] =	stream.indirect_vreg.gather [hbm4b:s3+s2], $0x80, v3, vm0, $0xb8;
	[tilespmem:$0x18080] =	vst v63  }
0xad: {  	_ = 	snop  }
0xae: {  	[tilespmem:s23], [sflag:$0x1] =	stream.indirect_vreg.gather [hbm4b:s4+s2], $0x80, v3, vm0, $0xb8;
	[tilespmem:$0x18080] =	vst v63  }
0xaf: {  	_ = 	snop  }
0xb0: {  	[tilespmem:s24], [sflag:$0x1] =	stream.indirect_vreg.gather [hbm4b:s5+s2], $0x80, v3, vm0, $0xb8;
	[tilespmem:$0x18080] =	vst v63  }
0xb1: {  	v3 =	vld [tilespmem:$0x70];
	_ =	sdelay $0x4  }
0xb2: {  	v63 =	vshrl.u32 v3, $0x3  }
0xb3: {  	v4 =	vmul.u32 $0x30, v63  }
0xb4: {  	v3 =	vand.u32 $0x7, v3  }
0xb5: {  	v3 =	vor.u32 v3, v4  }
0xb6: {  	v4 =	vperm.xlane v3, v0;
	_ =	sdelay $0x1  }
0xb7: {  	v4 =	vadd.s32 v1, v4;
	_ =	sdelay $0x3  }
0xb8: {  	v3 =	vperm.xlane v3, v2  }
0xb9: {  	[tilespmem:s25], [sflag:$0x1] =	stream.indirect_vreg.gather [hbm4b:s3+s2], $0x80, v4, vm0, $0xb8;
	[tilespmem:$0x18080] =	vst v63  }
0xba: {  	v3 =	vadd.s32 v1, v3  }
0xbb: {  	[tilespmem:s26], [sflag:$0x1] =	stream.indirect_vreg.gather [hbm4b:s4+s2], $0x80, v4, vm0, $0xb8;
	[tilespmem:$0x18080] =	vst v63  }
0xbc: {  	_ = 	snop  }
0xbd: {  	[tilespmem:s28], [sflag:$0x1] =	stream.indirect_vreg.gather [hbm4b:s5+s2], $0x80, v4, vm0, $0xb8;
	[tilespmem:$0x18080] =	vst v63  }
0xbe: {  	_ = 	snop  }
0xbf: {  	[tilespmem:s29], [sflag:$0x1] =	stream.indirect_vreg.gather [hbm4b:s3+s2], $0x80, v3, vm0, $0xb8;
	[tilespmem:$0x18080] =	vst v63  }
0xc0: {  	_ = 	snop  }
0xc1: {  	[tilespmem:s30], [sflag:$0x1] =	stream.indirect_vreg.gather [hbm4b:s4+s2], $0x80, v3, vm0, $0xb8;
	[tilespmem:$0x18080] =	vst v63  }
0xc2: {  	_ = 	snop  }
0xc3: {  	[tilespmem:s31], [sflag:$0x1] =	stream.indirect_vreg.gather [hbm4b:s5+s2], $0x80, v3, vm0, $0xb8;
	[tilespmem:$0x18080] =	vst v63  }
0xc4: {  	_ =	swait.ge [sflag:s1], $0x18000  }
0xc5: {  	p0 =	sne.s32 s6, $0x1;
	[sflag:s1] =	ssyncset.done $0x0  }
.Ltmp0:
0xc6: {  	s9 =	rddreg [dreg:$0x3];
	[sflag:s1] =	ssyncadd.s32 $0xFFFE8000;
	(pc) =	sbr.rel @p0 .LBB2_1-.Ltmp0, $4  }
0xc7: {  	[hbm4b:s9+s2] =	stream.linear.scatter [tilespmem:s8], [sflag:$0x2], $0x18000, $0x38;
	[tilespmem:$0x18080] =	vst v63  }
0xc8: {  	_ =	swait.ge [sflag:s7], $0x18000  }
0xc9: {  	[sflag:s7] =	ssyncset.done $0x0  }
0xca: {  	s6 =	sadd.s32 $0xFFFFFFFF, s6;
	[sflag:s7] =	ssyncadd.s32 $0xFFFE8000  }
0xcb: {  	_ =	sfence.sel $0x180000  }
0xcc: {  	[bflag:$0x0] =	sbarrier.arrive $0xFFFF  }
0xcd: {  	_ =	strace $0x9000004A  }
0xce: {  	s0 =	stileid.u32;
	[bflag:$0x2] =	sbarrier.arrive $0xFFFF  }
0xcf: {  	p0 =	sne.s32 s0, $0x0;
	s0 =	rddreg [dreg:$0x1]  }
0xd0: {  	s0 =	sadd.s32 @!p0 $0x100000, s0  }
0xd1: {  	[sflag:s0] =	ssyncadd.tile.s32 @!p0 $0x1;
	_ =	shalt  }
.Lfunc_end2:
_tile_overlayer_lowered:
.L_overlay_start_2:
0xd2: {  	(tag) =	ssettag $0x2  }
0xd3: {  	s0 =	rddreg [dreg:$0x0];
	s2 =	stileid.u32  }
0xd4: {  	s1 =	rddreg [dreg:$0x1];
	p0 =	sne.s32 s2, $0x0  }
0xd5: {  	s3 =	rddreg [dreg:$0x2];
	[bflag:$0x3] =	sbarrier.arrive $0xFFFF;
	s2 =	simm.s32 @!p0 $0x1C02  }
0xd6: {  	[timem:s3], [sflag:s2] =	dma.local @!p0 [hbm:s0], s1  }
0xd7: {  	s0 =	simm.s32 @!p0 $0x2  }
0xd8: {  	_ =	swait.ge @!p0 [sflag:s0], s1  }
0xd9: {  	s1 =	ssub.s32 @!p0 $0x0, s1;
	[sflag:s0] =	ssyncset.done @!p0 $0x0  }
0xda: {  	[sflag:s0] =	ssyncadd.s32 @!p0 s1  }
0xdb: {  	[bflag:$0x3] =	sbarrier.arrive $0xFFFF  }
0xdc: {  	_ =	shalt  }

// kernel: kernel.17.cloned.1.call-start
scs
__scs_entry_jumppad:
0x0: {  	(pc) =	sbr.rel $0x88, $3  }
0x1: {  	(tag) =	ssettag $0x0;
	lr =	simm.s32 $0x1  }
0x2: {  	[smem:$0x3F97] =	sst lr;
	_ =	strace $0xD0000000  }
0x3: {  	_ = 	snop  }
0x4: {  	_ = 	snop  }
0x5: {  	_ = 	snop  }
0x6: {  	_ = 	snop  }
0x7: {  	_ = 	snop  }
__scs_overlays_trampoline_lowered:
0x8: {  	[smem:$0x3FA6] =	sst s0  }
0x9: {  	[smem:$0x3FA7] =	sst s1  }
0xa: {  	[smem:$0x3FA8] =	sst s2  }
0xb: {  	[smem:$0x3FA9] =	sst s3  }
0xc: {  	[smem:$0x3FAA] =	sst s4  }
0xd: {  	[smem:$0x3FAB] =	sst s5  }
0xe: {  	[smem:$0x3FAC] =	sst s6  }
0xf: {  	[smem:$0x3FAD] =	sst s7  }
0x10: {  	[smem:$0x3FAE] =	sst s8  }
0x11: {  	[smem:$0x3FAF] =	sst s9;
	s0 =	simm.s32 @!p0 $0x0  }
0x12: {  	s1 =	sld [smem:$0x3F95];
	s0 =	simm.s32 @p0 $0x1  }
0x13: {  	[smem:$0x3FB0] =	sst s0;
	s0 =	simm.s32 @!p1 $0x0  }
0x14: {  	s2 =	sld [smem:$0x3F94];
	s0 =	simm.s32 @p1 $0x1  }
0x15: {  	[smem:$0x3FB1] =	sst s0;
	s0 =	simm.s32 @!p2 $0x0  }
0x16: {  	s3 =	sld [smem:$0x3FDB];
	s0 =	simm.s32 @p2 $0x1  }
0x17: {  	s4 =	simm.s32 $0x1BF5;
	[smem:$0x3FB3] =	sst s0  }
0x18: {  	s0 =	sld [smem:$0x3F96];
	_ =	swait.ge [sflag:s4], $0x0  }
0x19: {  	s7 =	sld [smem:$0x3F97]  }
0x1a: {  	s8 =	sadd.s32 $0xFFFFE003, lr  }
0x1b: {  	s9 =	sadd.s32 $0xFFFFFEF7, lr;
	s5 =	simm.s32 $0xFFFFFFFF;
	p2 =	slt.u32 s8, $0xFFFFF086  }
0x1c: {  	p1 =	slt.u32 s9, $0xF7A;
	s5 =	simm.s32 @!p2 $0x0  }
0x1d: {  	s5 =	simm.s32 @p1 $0x1;
	p0 =	seq.s32 s7, s2  }
0x1e: {  	s7 =	smul.u32 @!p0 $0xF7A, s2;
	p2 =	seq.s32 @!p0 s5, $0x0  }
0x1f: {  	s9 =	smul.u32 $0xF7A, s1;
	s8 =	simm.s32 @!p0 $0x1BF5;
	p2 =	por !p2, p0  }
0x20: {  	[sflag:s8] =	ssyncset.s32 @!p0 $0xFFFFF086;
	s6 =	sadd.s32 @!p0 s3, s7;
	s7 =	simm.s32 @!p0 $0x108  }
0x21: {  	s3 =	sadd.s32 s3, s9;
	s6 =	sadd.s32 @!p0 $0x88, s6;
	s7 =	simm.s32 @p2 $0x1082  }
0x22: {  	[simem:s7], [sflag:s8] =	dma.local @!p0 [hbm:s6], $0xF7A  }
0x23: {  	s9 =	sor.u32 $0xD0000000, s2;
	s6 =	simm.s32 $0x108;
	_ =	swait.ge @!p0 [sflag:s8], $0x0  }
0x24: {  	s3 =	sadd.s32 $0x88, s3;
	s6 =	simm.s32 @!p1 $0x1082;
	[sflag:s4] =	ssyncset.s32 $0xFFFFF086  }
0x25: {  	[simem:s6], [sflag:s4] =	dma.local [hbm:s3], $0xF7A  }
0x26: {  	[smem:$0x3F97] =	sst s1;
	(tag) =	ssettag s2;
	_ =	strace s9  }
0x27: {  	s1 =	sld [smem:$0x3FA7]  }
0x28: {  	s2 =	sld [smem:$0x3FA8]  }
0x29: {  	s4 =	sld [smem:$0x3FAA]  }
0x2a: {  	p0 =	seq.s32 s5, $0x0;
	s5 =	sld [smem:$0x3FAB]  }
0x2b: {  	s6 =	sld [smem:$0x3FAC]  }
0x2c: {  	s7 =	sld [smem:$0x3FAD]  }
0x2d: {  	s3 =	simm.s32 $0x108;
	s8 =	sld [smem:$0x3FAE]  }
0x2e: {  	s3 =	simm.s32 @!p0 $0x1082;
	s9 =	sld [smem:$0x3FAF]  }
0x2f: {  	lr =	sadd.s32 s0, s3;
	s0 =	sld [smem:$0x3FA6]  }
0x30: {  	s3 =	sld [smem:$0x3FA9]  }
0x31: {  	[smem:$0x3FB2] =	sst s10  }
0x32: {  	s10 =	sld [smem:$0x3FB0];
	_ =	sdelay $0x3  }
0x33: {  	p0 =	seq.s32 s10, $0x1;
	s10 =	sld [smem:$0x3FB2];
	_ =	sdelay $0x3  }
0x34: {  	[smem:$0x3FB2] =	sst s10  }
0x35: {  	s10 =	sld [smem:$0x3FB1];
	_ =	sdelay $0x3  }
0x36: {  	p1 =	seq.s32 s10, $0x1;
	s10 =	sld [smem:$0x3FB2];
	_ =	sdelay $0x3  }
0x37: {  	[smem:$0x3FB2] =	sst s10  }
0x38: {  	s10 =	sld [smem:$0x3FB3]  }
0x39: {  	_ = 	snop;
	(pc) =	sbr.ind lr, $3  }
0x3a: {  	_ = 	snop  }
0x3b: {  	_ = 	snop  }
0x3c: {  	p2 =	seq.s32 s10, $0x1;
	s10 =	sld [smem:$0x3FB2]  }
0x3d: {  	_ =	shalt  }
0x3e: {  	_ =	shalt  }
0x3f: {  	_ =	shalt  }
0x40: {  	_ =	shalt  }
0x41: {  	_ =	shalt  }
0x42: {  	_ =	shalt  }
0x43: {  	_ =	shalt  }
0x44: {  	_ =	shalt  }
0x45: {  	_ =	shalt  }
0x46: {  	_ =	shalt  }
0x47: {  	_ =	shalt  }
0x48: {  	_ =	shalt  }
0x49: {  	_ =	shalt  }
0x4a: {  	_ =	shalt  }
0x4b: {  	_ =	shalt  }
0x4c: {  	_ =	shalt  }
0x4d: {  	_ =	shalt  }
0x4e: {  	_ =	shalt  }
0x4f: {  	_ =	shalt  }
0x50: {  	_ =	shalt  }
0x51: {  	_ =	shalt  }
0x52: {  	_ =	shalt  }
0x53: {  	_ =	shalt  }
0x54: {  	_ =	shalt  }
0x55: {  	_ =	shalt  }
0x56: {  	_ =	shalt  }
0x57: {  	_ =	shalt  }
0x58: {  	_ =	shalt  }
0x59: {  	_ =	shalt  }
0x5a: {  	_ =	shalt  }
0x5b: {  	_ =	shalt  }
0x5c: {  	_ =	shalt  }
0x5d: {  	_ =	shalt  }
0x5e: {  	_ =	shalt  }
0x5f: {  	_ =	shalt  }
0x60: {  	_ =	shalt  }
0x61: {  	_ =	shalt  }
0x62: {  	_ =	shalt  }
0x63: {  	_ =	shalt  }
0x64: {  	_ =	shalt  }
0x65: {  	_ =	shalt  }
0x66: {  	_ =	shalt  }
0x67: {  	_ =	shalt  }
0x68: {  	_ =	shalt  }
0x69: {  	_ =	shalt  }
0x6a: {  	_ =	shalt  }
0x6b: {  	_ =	shalt  }
0x6c: {  	_ =	shalt  }
0x6d: {  	_ =	shalt  }
0x6e: {  	_ =	shalt  }
0x6f: {  	_ =	shalt  }
0x70: {  	_ =	shalt  }
0x71: {  	_ =	shalt  }
0x72: {  	_ =	shalt  }
0x73: {  	_ =	shalt  }
0x74: {  	_ =	shalt  }
0x75: {  	_ =	shalt  }
0x76: {  	_ =	shalt  }
0x77: {  	_ =	shalt  }
0x78: {  	_ =	shalt  }
0x79: {  	_ =	shalt  }
0x7a: {  	_ =	shalt  }
0x7b: {  	_ =	shalt  }
0x7c: {  	_ =	shalt  }
0x7d: {  	_ =	shalt  }
0x7e: {  	_ =	shalt  }
0x7f: {  	_ =	shalt  }
0x80: {  	_ =	shalt  }
0x81: {  	_ =	shalt  }
0x82: {  	_ =	shalt  }
0x83: {  	_ =	shalt  }
0x84: {  	_ =	shalt  }
0x85: {  	_ =	shalt  }
0x86: {  	_ =	shalt  }
0x87: {  	_ =	shalt  }
.Lfunc_end0:
.L_simem_size_0:
called_computation.2_lowered:
.L_overlay_start_0:
0x88: {  	s2 =	sld [smem:$0x3FD9]  }
0x89: {  	s3 =	sld [smem:$0x3FFE];
	_ =	sdelay $0x1  }
0x8a: {  	s1 =	srdreg.scid  }
0x8b: {  	s0 =	sand.u32 $0x1, s1  }
0x8c: {  	s16 =	sshll.u32 s0, $0xA;
	s2 =	sadd.s32 s3, s2  }
0x8d: {  	s2 =	sadd.s32 s2, s16  }
0x8e: {  	[smem:$0x3FBE] =	sst s2  }
0x8f: {  	_ = 	snop  }
0x90: {  	(tm) =	ssettm $0x1  }
0x91: {  	s17 =	sld [smem:$0x3FFB];
	_ =	sdelay $0x3  }
0x92: {  	_ =	strace s17  }
0x93: {  	s2 =	sld [smem:$0x3FFC];
	_ =	sdelay $0x3  }
0x94: {  	_ =	strace s2  }
0x95: {  	s2 =	sld [smem:$0x3FFD];
	_ =	sdelay $0x3  }
0x96: {  	_ =	strace s2  }
0x97: {  	_ =	strace $0x8FFFFFFF  }
0x98: {  	s18 =	sld [smem:$0x3FDB];
	_ =	sdelay $0x1  }
0x99: {  	s19 =	simm.s32 $_scs_section_size  }
0x9a: {  	s4 =	simm.s32 $_size__tile_overlayer_lowered;
	s5 =	simm.s32 $_tile_overlayer_lowered  }
0x9b: {  	s22 =	simm.s32 $0x1BFF;
	s21 =	sshll.u32 s5, $0x1;
	s2 =	sadd.s32 s19, s18  }
0x9c: {  	s6 =	simm.s32 $0x0;
	s20 =	sshll.u32 s4, $0x1;
	s4 =	sadd.s32 s21, s2  }
0x9d: {  	[timem:s6], [sflag:s22] =	dma.local [hbm:s4], s20  }
0x9e: {  	_ =	swait.ge [sflag:s22], s20  }
0x9f: {  	s3 =	ssub.s32 $0x0, s20;
	[sflag:s22] =	ssyncset.done $0x0  }
0xa0: {  	[sflag:s22] =	ssyncadd.s32 s3;
	_ =	sdelay $0x1  }
0xa1: {  	s23 =	simm.s32 $0x1B8B  }
0xa2: {  	_ =	swait.ge [sflag:s23], $0x1  }
0xa3: {  	[sflag:s23] =	ssyncset.done $0x0  }
0xa4: {  	s25 =	simm.s32 $0x1B8E;
	s24 =	sld [smem:$0x3FFE];
	[sflag:s23] =	ssyncadd.s32 $0xFFFFFFFF  }
0xa5: {  	s26 =	simm.s32 $execute0_lowered;
	[smem:$0x3FD2] =	sst s25  }
0xa6: {  	s4 =	sshll.u32 s26, $0x1;
	_ =	strace $0x8000004C;
	[dreg:$0x1] =	wrdreg $0xFFFFFFFF  }
0xa7: {  	s28 =	simm.s32 $_size_execute0_lowered;
	s2 =	sadd.s32 s2, s4;
	[dreg:$0x0] =	wrdreg $0x0  }
0xa8: {  	s4 =	sshll.u32 s28, $0x1;
	[dreg:$0x2] =	wrdreg s2  }
0xa9: {  	[dreg:$0x3] =	wrdreg s4  }
0xaa: {  	[dreg:$0x4] =	wrdreg $0xC0  }
0xab: {  	_ =	task [dreg:s6], $0x5FFFF  }
0xac: {  	[dreg:$0x1] =	wrdreg $0xFFFFFFFF  }
0xad: {  	[dreg:$0x0] =	wrdreg $0x60  }
0xae: {  	[dreg:$0x2] =	wrdreg s24  }
0xaf: {  	[dreg:$0x3] =	wrdreg $0x9  }
0xb0: {  	_ =	task.clear_ibuf [dreg:s6], $0x4FFFF;
	_ =	strace $0x9000004C  }
0xb1: {  	s29 =	simm.s32 $0x9;
	_ =	strace $0x8000004E  }
0xb2: {  	_ =	swait.ge [sflag:s29], $0x1  }
0xb3: {  	[sflag:s29] =	ssyncadd.s32 $0xFFFFFFFF  }
0xb4: {  	_ =	strace $0x9000004E  }
0xb5: {  	_ =	sfence  }
0xb6: {  	s30 =	sld [smem:$0x0];
	_ =	sdelay $0x2  }
0xb7: {  	s31 =	sshll.u32 s1, $0xD;
	s1 =	sshrl.u32 s1, $0x2  }
0xb8: {  	s3 =	sand.u32 $0x4000, s31;
	s1 =	sadd.s32 s1, s30  }
0xb9: {  	s0 =	sor.u32 s3, s0;
	s1 =	sshll.u32 s1, $0x11  }
0xba: {  	s0 =	sor.u32 s1, s0  }
0xbb: {  	s0 =	sadd.s32 $0x8F2B, s0  }
0xbc: {  	[sflag:s0] =	ssyncadd.remote.s32 $0x1  }
0xbd: {  	_ =	sfence.sel $0xFFFF  }
0xbe: {  	[dreg:$0x0] =	wrdreg $0xFFFFFFFF;
	(pc) =	sbr.abs _section_cstart, $3  }
0xbf: {  	[dreg:$0x1] =	wrdreg $0xFFFFFFFF  }
0xc0: {  	_ =	task.clear_ibuf [dreg:s6], $0x2FFFF;
	_ =	strace $0x9FFFFFFF  }
0xc1: {  	(tm) =	ssettm $0x7FFFFFFF  }
tec
execute0_lowered:
.L_overlay_start_1:
0x0: {  	(tag) =	ssettag $0x1  }
0x1: {  	s1 =	srdreg.scid  }
0x2: {  	s0 =	stileid.u32;
	s1 =	sand.u32 $0x1, s1  }
0x3: {  	s2 =	sshll.u32 s0, $0x5;
	s3 =	sshll.u32 s1, $0x4  }
0x4: {  	s5 =	rddreg [dreg:$0x0];
	s3 =	sor.u32 s3, s2;
	s2 =	simm.s32 $0x0  }
0x5: {  	s25 =	simm.s32 $0x880;
	[smem:$0x7FF] =	sst s2  }
0x6: {  	s26 =	simm.s32 $0x1080;
	_ =	strace $0x8000004D;
	[dreg:$0x4] =	wrdreg s25  }
0x7: {  	s0 =	simm.s32 $0x1880;
	[dreg:$0x5] =	wrdreg s26  }
0x8: {  	s6 =	simm.s32 $0x2880;
	[dreg:$0x6] =	wrdreg s0  }
0x9: {  	s7 =	simm.s32 $0x3080;
	[dreg:$0x8] =	wrdreg s6  }
0xa: {  	s8 =	simm.s32 $0x3880;
	[dreg:$0x9] =	wrdreg s7  }
0xb: {  	s9 =	simm.s32 $0x4080;
	[dreg:$0xa] =	wrdreg s8  }
0xc: {  	s10 =	simm.s32 $0x4880;
	[dreg:$0xb] =	wrdreg s9  }
0xd: {  	s11 =	simm.s32 $0x5080;
	[dreg:$0xc] =	wrdreg s10  }
0xe: {  	s12 =	simm.s32 $0x5880;
	[dreg:$0xd] =	wrdreg s11  }
0xf: {  	s13 =	simm.s32 $0x6080;
	[dreg:$0xe] =	wrdreg s12  }
0x10: {  	s14 =	simm.s32 $0x6880;
	[dreg:$0xf] =	wrdreg s13  }
0x11: {  	s15 =	simm.s32 $0x7080;
	[dreg:$0x10] =	wrdreg s14  }
0x12: {  	s16 =	simm.s32 $0x7880;
	[dreg:$0x11] =	wrdreg s15  }
0x13: {  	s17 =	simm.s32 $0x8080;
	s18 =	simm.s32 $0x8880;
	[dreg:$0x12] =	wrdreg s16  }
0x14: {  	s19 =	simm.s32 $0x9080;
	s20 =	simm.s32 $0x9880;
	[dreg:$0x13] =	wrdreg s17  }
0x15: {  	s21 =	simm.s32 $0xA080;
	s22 =	simm.s32 $0xA880;
	[dreg:$0x14] =	wrdreg s18  }
0x16: {  	s23 =	simm.s32 $0xB080;
	s28 =	simm.s32 $0x16080;
	[dreg:$0x15] =	wrdreg s19  }
0x17: {  	s29 =	simm.s32 $0x16880;
	s30 =	simm.s32 $0x17080;
	[dreg:$0x16] =	wrdreg s20  }
0x18: {  	s31 =	simm.s32 $0x17880;
	s1 =	ssub.s32 $0x2, s1;
	[dreg:$0x17] =	wrdreg s21  }
0x19: {  	s4 =	smul.u32 $0x300, s3;
	s3 =	sadd.s32 s3, s5;
	[dreg:$0x18] =	wrdreg s22  }
0x1a: {  	s3 =	sadd.s32 $0xC1C00, s3;
	s6 =	sshrl.u32 s1, $0x1;
	[dreg:$0x19] =	wrdreg s23  }
0x1b: {  	s7 =	simm.s32 $0xB880;
	s25 =	simm.s32 $0xC880;
	s8 =	simm.s32 $0x80  }
0x1c: {  	s26 =	simm.s32 $0xD080;
	s9 =	simm.s32 $0x1;
	s11 =	simm.s32 $0xE080  }
0x1d: {  	s12 =	simm.s32 $0xE880;
	s13 =	simm.s32 $0xF080;
	s14 =	simm.s32 $0xF880  }
0x1e: {  	s15 =	simm.s32 $0x10080;
	s16 =	simm.s32 $0x10880;
	s17 =	simm.s32 $0x11080  }
0x1f: {  	s18 =	simm.s32 $0x11880;
	s19 =	simm.s32 $0x12080;
	s20 =	simm.s32 $0x12880  }
0x20: {  	s21 =	simm.s32 $0x13080;
	s22 =	simm.s32 $0x13880;
	[dreg:$0x2] =	wrdreg s3  }
0x21: {  	s23 =	simm.s32 $0x14080;
	s4 =	sadd.s32 s4, s5;
	[dreg:$0x1a] =	wrdreg s7  }
0x22: {  	s3 =	sadd.s32 $0xC1E00, s5;
	s1 =	ssub.s32 s1, s6;
	[dreg:$0x1c] =	wrdreg s25  }
0x23: {  	s7 =	simm.s32 $0x3;
	[dreg:$0x1d] =	wrdreg s26;
	s25 =	simm.s32 $0x15080  }
0x24: {  	s26 =	simm.s32 $0x15880;
	s24 =	sadd.s32 $0x61C00, s4;
	s4 =	simm.s32 $0x2080  }
0x25: {  	v2 =	vlaneseq.u32;
	s6 =	smax.u32 s1, $0x1;
	s1 =	simm.s32 $0x2;
	[dreg:$0x3] =	wrdreg s24  }
0x26: {  	vm0 =	vmmov $0xffff;
	v1 =	vshrl.u32 v2, $0x3;
	[dreg:$0x7] =	wrdreg s4;
	s4 =	sadd.s32 $0xC1F00, s5;
	s24 =	simm.s32 $0xC080  }
0x27: {  	v0 =	vand.u32 $0x7, v2;
	v2 =	vor.u32 $0x8, v2;
	v1 =	vmul.u32 $0x8, v1;
	s5 =	sadd.s32 $0xC2000, s5;
	[dreg:$0x1b] =	wrdreg s24;
	s24 =	simm.s32 $0x14880  }
.LBB2_1:
0x28: {  	s0 =	rddreg [dreg:$0x2]  }
0x29: {  	[tilespmem:s2], [sflag:$0x3] =	stream.linear.gather [hbm4b:s0+s2], $0x80, $0x38;
	[tilespmem:$0x18080] =	vst v63  }
0x2a: {  	_ =	swait.ge [sflag:s7], $0x80  }
0x2b: {  	[sflag:s7] =	ssyncset.done $0x0  }
0x2c: {  	s10 =	rddreg [dreg:$0x3];
	[sflag:s7] =	ssyncadd.s32 $0xFFFFFF80  }
0x2d: {  	[tilespmem:s8], [sflag:$0x1] =	stream.linear.gather [hbm4b:s10+s2], $0x18000, $0x38;
	[tilespmem:$0x18080] =	vst v63  }
0x2e: {  	_ =	swait.ge [sflag:s9], $0x18000  }
0x2f: {  	[sflag:s9] =	ssyncset.done $0x0  }
0x30: {  	[sflag:s9] =	ssyncadd.s32 $0xFFFE8000  }
0x31: {  	v3 =	vld [tilespmem:$0x0];
	_ =	sdelay $0x4  }
0x32: {  	v4 =	vshrl.u32 v3, $0x3  }
0x33: {  	v4 =	vmul.u32 $0x30, v4  }
0x34: {  	v3 =	vand.u32 $0x7, v3  }
0x35: {  	v3 =	vor.u32 v3, v4  }
0x36: {  	v4 =	vperm.xlane v3, v0;
	_ =	sdelay $0x1  }
0x37: {  	v4 =	vadd.s32 v1, v4;
	_ =	sdelay $0x3  }
0x38: {  	v3 =	vperm.xlane v3, v2  }
0x39: {  	[hbm4b:s3+s2] =	stream.indirect_vreg.scatter [tilespmem:s8], [sflag:$0x2], $0x80, v4, vm0, $0xb8;
	[tilespmem:$0x18080] =	vst v63  }
0x3a: {  	s0 =	rddreg [dreg:$0x4];
	v3 =	vadd.s32 v1, v3  }
0x3b: {  	[hbm4b:s4+s2] =	stream.indirect_vreg.scatter [tilespmem:s0], [sflag:$0x2], $0x80, v4, vm0, $0xb8;
	[tilespmem:$0x18080] =	vst v63  }
0x3c: {  	s10 =	rddreg [dreg:$0x5]  }
0x3d: {  	[hbm4b:s5+s2] =	stream.indirect_vreg.scatter [tilespmem:s10], [sflag:$0x2], $0x80, v4, vm0, $0xb8;
	[tilespmem:$0x18080] =	vst v63  }
0x3e: {  	s0 =	rddreg [dreg:$0x6]  }
0x3f: {  	[hbm4b:s3+s2] =	stream.indirect_vreg.scatter [tilespmem:s0], [sflag:$0x2], $0x80, v3, vm0, $0xb8;
	[tilespmem:$0x18080] =	vst v63  }
0x40: {  	s10 =	rddreg [dreg:$0x7]  }
0x41: {  	[hbm4b:s4+s2] =	stream.indirect_vreg.scatter [tilespmem:s10], [sflag:$0x2], $0x80, v3, vm0, $0xb8;
	[tilespmem:$0x18080] =	vst v63  }
0x42: {  	s0 =	rddreg [dreg:$0x8]  }
0x43: {  	[hbm4b:s5+s2] =	stream.indirect_vreg.scatter [tilespmem:s0], [sflag:$0x2], $0x80, v3, vm0, $0xb8;
	[tilespmem:$0x18080] =	vst v63  }
0x44: {  	v3 =	vld [tilespmem:$0x10];
	_ =	sdelay $0x4  }
0x45: {  	v57 =	vshrl.u32 v3, $0x3  }
0x46: {  	v4 =	vmul.u32 $0x30, v57  }
0x47: {  	v3 =	vand.u32 $0x7, v3  }
0x48: {  	v3 =	vor.u32 v3, v4  }
0x49: {  	v4 =	vperm.xlane v3, v0;
	_ =	sdelay $0x1  }
0x4a: {  	v4 =	vadd.s32 v1, v4;
	_ =	sdelay $0x3  }
0x4b: {  	s0 =	rddreg [dreg:$0x9];
	v3 =	vperm.xlane v3, v2  }
0x4c: {  	[hbm4b:s3+s2] =	stream.indirect_vreg.scatter [tilespmem:s0], [sflag:$0x2], $0x80, v4, vm0, $0xb8;
	[tilespmem:$0x18080] =	vst v63  }
0x4d: {  	s10 =	rddreg [dreg:$0xa];
	v3 =	vadd.s32 v1, v3  }
0x4e: {  	[hbm4b:s4+s2] =	stream.indirect_vreg.scatter [tilespmem:s10], [sflag:$0x2], $0x80, v4, vm0, $0xb8;
	[tilespmem:$0x18080] =	vst v63  }
0x4f: {  	s0 =	rddreg [dreg:$0xb]  }
0x50: {  	[hbm4b:s5+s2] =	stream.indirect_vreg.scatter [tilespmem:s0], [sflag:$0x2], $0x80, v4, vm0, $0xb8;
	[tilespmem:$0x18080] =	vst v63  }
0x51: {  	s10 =	rddreg [dreg:$0xc]  }
0x52: {  	[hbm4b:s3+s2] =	stream.indirect_vreg.scatter [tilespmem:s10], [sflag:$0x2], $0x80, v3, vm0, $0xb8;
	[tilespmem:$0x18080] =	vst v63  }
0x53: {  	s0 =	rddreg [dreg:$0xd]  }
0x54: {  	[hbm4b:s4+s2] =	stream.indirect_vreg.scatter [tilespmem:s0], [sflag:$0x2], $0x80, v3, vm0, $0xb8;
	[tilespmem:$0x18080] =	vst v63  }
0x55: {  	s10 =	rddreg [dreg:$0xe]  }
0x56: {  	[hbm4b:s5+s2] =	stream.indirect_vreg.scatter [tilespmem:s10], [sflag:$0x2], $0x80, v3, vm0, $0xb8;
	[tilespmem:$0x18080] =	vst v63  }
0x57: {  	v3 =	vld [tilespmem:$0x20];
	_ =	sdelay $0x4  }
0x58: {  	v58 =	vshrl.u32 v3, $0x3  }
0x59: {  	v4 =	vmul.u32 $0x30, v58  }
0x5a: {  	v3 =	vand.u32 $0x7, v3  }
0x5b: {  	v3 =	vor.u32 v3, v4  }
0x5c: {  	v4 =	vperm.xlane v3, v0;
	_ =	sdelay $0x1  }
0x5d: {  	v4 =	vadd.s32 v1, v4;
	_ =	sdelay $0x3  }
0x5e: {  	s0 =	rddreg [dreg:$0xf];
	v3 =	vperm.xlane v3, v2  }
0x5f: {  	[hbm4b:s3+s2] =	stream.indirect_vreg.scatter [tilespmem:s0], [sflag:$0x2], $0x80, v4, vm0, $0xb8;
	[tilespmem:$0x18080] =	vst v63  }
0x60: {  	s10 =	rddreg [dreg:$0x10];
	v3 =	vadd.s32 v1, v3  }
0x61: {  	[hbm4b:s4+s2] =	stream.indirect_vreg.scatter [tilespmem:s10], [sflag:$0x2], $0x80, v4, vm0, $0xb8;
	[tilespmem:$0x18080] =	vst v63  }
0x62: {  	s0 =	rddreg [dreg:$0x11]  }
0x63: {  	[hbm4b:s5+s2] =	stream.indirect_vreg.scatter [tilespmem:s0], [sflag:$0x2], $0x80, v4, vm0, $0xb8;
	[tilespmem:$0x18080] =	vst v63  }
0x64: {  	s10 =	rddreg [dreg:$0x12]  }
0x65: {  	[hbm4b:s3+s2] =	stream.indirect_vreg.scatter [tilespmem:s10], [sflag:$0x2], $0x80, v3, vm0, $0xb8;
	[tilespmem:$0x18080] =	vst v63  }
0x66: {  	s0 =	rddreg [dreg:$0x13]  }
0x67: {  	[hbm4b:s4+s2] =	stream.indirect_vreg.scatter [tilespmem:s0], [sflag:$0x2], $0x80, v3, vm0, $0xb8;
	[tilespmem:$0x18080] =	vst v63  }
0x68: {  	s10 =	rddreg [dreg:$0x14]  }
0x69: {  	[hbm4b:s5+s2] =	stream.indirect_vreg.scatter [tilespmem:s10], [sflag:$0x2], $0x80, v3, vm0, $0xb8;
	[tilespmem:$0x18080] =	vst v63  }
0x6a: {  	v3 =	vld [tilespmem:$0x30];
	_ =	sdelay $0x4  }
0x6b: {  	v59 =	vshrl.u32 v3, $0x3  }
0x6c: {  	v4 =	vmul.u32 $0x30, v59  }
0x6d: {  	v3 =	vand.u32 $0x7, v3  }
0x6e: {  	v3 =	vor.u32 v3, v4  }
0x6f: {  	v4 =	vperm.xlane v3, v0;
	_ =	sdelay $0x1  }
0x70: {  	v4 =	vadd.s32 v1, v4;
	_ =	sdelay $0x3  }
0x71: {  	s0 =	rddreg [dreg:$0x15];
	v3 =	vperm.xlane v3, v2  }
0x72: {  	[hbm4b:s3+s2] =	stream.indirect_vreg.scatter [tilespmem:s0], [sflag:$0x2], $0x80, v4, vm0, $0xb8;
	[tilespmem:$0x18080] =	vst v63  }
0x73: {  	s10 =	rddreg [dreg:$0x16];
	v3 =	vadd.s32 v1, v3  }
0x74: {  	[hbm4b:s4+s2] =	stream.indirect_vreg.scatter [tilespmem:s10], [sflag:$0x2], $0x80, v4, vm0, $0xb8;
	[tilespmem:$0x18080] =	vst v63  }
0x75: {  	s0 =	rddreg [dreg:$0x17]  }
0x76: {  	[hbm4b:s5+s2] =	stream.indirect_vreg.scatter [tilespmem:s0], [sflag:$0x2], $0x80, v4, vm0, $0xb8;
	[tilespmem:$0x18080] =	vst v63  }
0x77: {  	s10 =	rddreg [dreg:$0x18]  }
0x78: {  	[hbm4b:s3+s2] =	stream.indirect_vreg.scatter [tilespmem:s10], [sflag:$0x2], $0x80, v3, vm0, $0xb8;
	[tilespmem:$0x18080] =	vst v63  }
0x79: {  	s0 =	rddreg [dreg:$0x19]  }
0x7a: {  	[hbm4b:s4+s2] =	stream.indirect_vreg.scatter [tilespmem:s0], [sflag:$0x2], $0x80, v3, vm0, $0xb8;
	[tilespmem:$0x18080] =	vst v63  }
0x7b: {  	s10 =	rddreg [dreg:$0x1a]  }
0x7c: {  	[hbm4b:s5+s2] =	stream.indirect_vreg.scatter [tilespmem:s10], [sflag:$0x2], $0x80, v3, vm0, $0xb8;
	[tilespmem:$0x18080] =	vst v63  }
0x7d: {  	v3 =	vld [tilespmem:$0x40];
	_ =	sdelay $0x4  }
0x7e: {  	v60 =	vshrl.u32 v3, $0x3  }
0x7f: {  	v4 =	vmul.u32 $0x30, v60  }
0x80: {  	v3 =	vand.u32 $0x7, v3  }
0x81: {  	v3 =	vor.u32 v3, v4  }
0x82: {  	v4 =	vperm.xlane v3, v0;
	_ =	sdelay $0x1  }
0x83: {  	v4 =	vadd.s32 v1, v4;
	_ =	sdelay $0x3  }
0x84: {  	s0 =	rddreg [dreg:$0x1b];
	v3 =	vperm.xlane v3, v2  }
0x85: {  	[hbm4b:s3+s2] =	stream.indirect_vreg.scatter [tilespmem:s0], [sflag:$0x2], $0x80, v4, vm0, $0xb8;
	[tilespmem:$0x18080] =	vst v63  }
0x86: {  	s10 =	rddreg [dreg:$0x1c];
	v3 =	vadd.s32 v1, v3  }
0x87: {  	[hbm4b:s4+s2] =	stream.indirect_vreg.scatter [tilespmem:s10], [sflag:$0x2], $0x80, v4, vm0, $0xb8;
	[tilespmem:$0x18080] =	vst v63  }
0x88: {  	s0 =	rddreg [dreg:$0x1d]  }
0x89: {  	[hbm4b:s5+s2] =	stream.indirect_vreg.scatter [tilespmem:s0], [sflag:$0x2], $0x80, v4, vm0, $0xb8;
	[tilespmem:$0x18080] =	vst v63  }
0x8a: {  	s10 =	simm.s32 $0xD880  }
0x8b: {  	[hbm4b:s3+s2] =	stream.indirect_vreg.scatter [tilespmem:s10], [sflag:$0x2], $0x80, v3, vm0, $0xb8;
	[tilespmem:$0x18080] =	vst v63  }
0x8c: {  	_ = 	snop  }
0x8d: {  	[hbm4b:s4+s2] =	stream.indirect_vreg.scatter [tilespmem:s11], [sflag:$0x2], $0x80, v3, vm0, $0xb8;
	[tilespmem:$0x18080] =	vst v63  }
0x8e: {  	_ = 	snop  }
0x8f: {  	[hbm4b:s5+s2] =	stream.indirect_vreg.scatter [tilespmem:s12], [sflag:$0x2], $0x80, v3, vm0, $0xb8;
	[tilespmem:$0x18080] =	vst v63  }
0x90: {  	v3 =	vld [tilespmem:$0x50];
	_ =	sdelay $0x4  }
0x91: {  	v61 =	vshrl.u32 v3, $0x3  }
0x92: {  	v4 =	vmul.u32 $0x30, v61  }
0x93: {  	v3 =	vand.u32 $0x7, v3  }
0x94: {  	v3 =	vor.u32 v3, v4  }
0x95: {  	v4 =	vperm.xlane v3, v0;
	_ =	sdelay $0x1  }
0x96: {  	v4 =	vadd.s32 v1, v4;
	_ =	sdelay $0x3  }
0x97: {  	v3 =	vperm.xlane v3, v2  }
0x98: {  	[hbm4b:s3+s2] =	stream.indirect_vreg.scatter [tilespmem:s13], [sflag:$0x2], $0x80, v4, vm0, $0xb8;
	[tilespmem:$0x18080] =	vst v63  }
0x99: {  	v3 =	vadd.s32 v1, v3  }
0x9a: {  	[hbm4b:s4+s2] =	stream.indirect_vreg.scatter [tilespmem:s14], [sflag:$0x2], $0x80, v4, vm0, $0xb8;
	[tilespmem:$0x18080] =	vst v63  }
0x9b: {  	_ = 	snop  }
0x9c: {  	[hbm4b:s5+s2] =	stream.indirect_vreg.scatter [tilespmem:s15], [sflag:$0x2], $0x80, v4, vm0, $0xb8;
	[tilespmem:$0x18080] =	vst v63  }
0x9d: {  	_ = 	snop  }
0x9e: {  	[hbm4b:s3+s2] =	stream.indirect_vreg.scatter [tilespmem:s16], [sflag:$0x2], $0x80, v3, vm0, $0xb8;
	[tilespmem:$0x18080] =	vst v63  }
0x9f: {  	_ = 	snop  }
0xa0: {  	[hbm4b:s4+s2] =	stream.indirect_vreg.scatter [tilespmem:s17], [sflag:$0x2], $0x80, v3, vm0, $0xb8;
	[tilespmem:$0x18080] =	vst v63  }
0xa1: {  	_ = 	snop  }
0xa2: {  	[hbm4b:s5+s2] =	stream.indirect_vreg.scatter [tilespmem:s18], [sflag:$0x2], $0x80, v3, vm0, $0xb8;
	[tilespmem:$0x18080] =	vst v63  }
0xa3: {  	v3 =	vld [tilespmem:$0x60];
	_ =	sdelay $0x4  }
0xa4: {  	v62 =	vshrl.u32 v3, $0x3  }
0xa5: {  	v4 =	vmul.u32 $0x30, v62  }
0xa6: {  	v3 =	vand.u32 $0x7, v3  }
0xa7: {  	v3 =	vor.u32 v3, v4  }
0xa8: {  	v4 =	vperm.xlane v3, v0;
	_ =	sdelay $0x1  }
0xa9: {  	v4 =	vadd.s32 v1, v4;
	_ =	sdelay $0x3  }
0xaa: {  	v3 =	vperm.xlane v3, v2  }
0xab: {  	[hbm4b:s3+s2] =	stream.indirect_vreg.scatter [tilespmem:s19], [sflag:$0x2], $0x80, v4, vm0, $0xb8;
	[tilespmem:$0x18080] =	vst v63  }
0xac: {  	v3 =	vadd.s32 v1, v3  }
0xad: {  	[hbm4b:s4+s2] =	stream.indirect_vreg.scatter [tilespmem:s20], [sflag:$0x2], $0x80, v4, vm0, $0xb8;
	[tilespmem:$0x18080] =	vst v63  }
0xae: {  	_ = 	snop  }
0xaf: {  	[hbm4b:s5+s2] =	stream.indirect_vreg.scatter [tilespmem:s21], [sflag:$0x2], $0x80, v4, vm0, $0xb8;
	[tilespmem:$0x18080] =	vst v63  }
0xb0: {  	_ = 	snop  }
0xb1: {  	[hbm4b:s3+s2] =	stream.indirect_vreg.scatter [tilespmem:s22], [sflag:$0x2], $0x80, v3, vm0, $0xb8;
	[tilespmem:$0x18080] =	vst v63  }
0xb2: {  	_ = 	snop  }
0xb3: {  	[hbm4b:s4+s2] =	stream.indirect_vreg.scatter [tilespmem:s23], [sflag:$0x2], $0x80, v3, vm0, $0xb8;
	[tilespmem:$0x18080] =	vst v63  }
0xb4: {  	_ = 	snop  }
0xb5: {  	[hbm4b:s5+s2] =	stream.indirect_vreg.scatter [tilespmem:s24], [sflag:$0x2], $0x80, v3, vm0, $0xb8;
	[tilespmem:$0x18080] =	vst v63  }
0xb6: {  	v3 =	vld [tilespmem:$0x70];
	_ =	sdelay $0x4  }
0xb7: {  	v63 =	vshrl.u32 v3, $0x3  }
0xb8: {  	v4 =	vmul.u32 $0x30, v63  }
0xb9: {  	v3 =	vand.u32 $0x7, v3  }
0xba: {  	v3 =	vor.u32 v3, v4  }
0xbb: {  	v4 =	vperm.xlane v3, v0;
	_ =	sdelay $0x1  }
0xbc: {  	v4 =	vadd.s32 v1, v4;
	_ =	sdelay $0x3  }
0xbd: {  	v3 =	vperm.xlane v3, v2  }
0xbe: {  	[hbm4b:s3+s2] =	stream.indirect_vreg.scatter [tilespmem:s25], [sflag:$0x2], $0x80, v4, vm0, $0xb8;
	[tilespmem:$0x18080] =	vst v63  }
0xbf: {  	v3 =	vadd.s32 v1, v3  }
0xc0: {  	[hbm4b:s4+s2] =	stream.indirect_vreg.scatter [tilespmem:s26], [sflag:$0x2], $0x80, v4, vm0, $0xb8;
	[tilespmem:$0x18080] =	vst v63  }
0xc1: {  	_ = 	snop  }
0xc2: {  	[hbm4b:s5+s2] =	stream.indirect_vreg.scatter [tilespmem:s28], [sflag:$0x2], $0x80, v4, vm0, $0xb8;
	[tilespmem:$0x18080] =	vst v63  }
0xc3: {  	_ = 	snop  }
0xc4: {  	[hbm4b:s3+s2] =	stream.indirect_vreg.scatter [tilespmem:s29], [sflag:$0x2], $0x80, v3, vm0, $0xb8;
	[tilespmem:$0x18080] =	vst v63  }
0xc5: {  	p0 =	sne.s32 s6, $0x1  }
0xc6: {  	[hbm4b:s4+s2] =	stream.indirect_vreg.scatter [tilespmem:s30], [sflag:$0x2], $0x80, v3, vm0, $0xb8;
	[tilespmem:$0x18080] =	vst v63  }
.Ltmp0:
0xc7: {  	_ = 	snop;
	(pc) =	sbr.rel @p0 .LBB2_1-.Ltmp0, $4  }
0xc8: {  	[hbm4b:s5+s2] =	stream.indirect_vreg.scatter [tilespmem:s31], [sflag:$0x2], $0x80, v3, vm0, $0xb8;
	[tilespmem:$0x18080] =	vst v63  }
0xc9: {  	_ =	swait.ge [sflag:s1], $0x18000  }
0xca: {  	[sflag:s1] =	ssyncset.done $0x0  }
0xcb: {  	s6 =	sadd.s32 $0xFFFFFFFF, s6;
	[sflag:s1] =	ssyncadd.s32 $0xFFFE8000  }
0xcc: {  	_ =	sfence.sel $0x180000  }
0xcd: {  	[bflag:$0x0] =	sbarrier.arrive $0xFFFF  }
0xce: {  	_ =	strace $0x9000004D  }
0xcf: {  	s0 =	stileid.u32;
	[bflag:$0x2] =	sbarrier.arrive $0xFFFF  }
0xd0: {  	p0 =	sne.s32 s0, $0x0;
	s0 =	rddreg [dreg:$0x1]  }
0xd1: {  	s0 =	sadd.s32 @!p0 $0x100000, s0  }
0xd2: {  	[sflag:s0] =	ssyncadd.tile.s32 @!p0 $0x1;
	_ =	shalt  }
.Lfunc_end2:
_tile_overlayer_lowered:
.L_overlay_start_2:
0xd3: {  	(tag) =	ssettag $0x2  }
0xd4: {  	s0 =	rddreg [dreg:$0x0];
	s2 =	stileid.u32  }
0xd5: {  	s1 =	rddreg [dreg:$0x1];
	p0 =	sne.s32 s2, $0x0  }
0xd6: {  	s3 =	rddreg [dreg:$0x2];
	[bflag:$0x3] =	sbarrier.arrive $0xFFFF;
	s2 =	simm.s32 @!p0 $0x1C03  }
0xd7: {  	[timem:s3], [sflag:s2] =	dma.local @!p0 [hbm:s0], s1  }
0xd8: {  	s0 =	simm.s32 @!p0 $0x3  }
0xd9: {  	_ =	swait.ge @!p0 [sflag:s0], s1  }
0xda: {  	s1 =	ssub.s32 @!p0 $0x0, s1;
	[sflag:s0] =	ssyncset.done @!p0 $0x0  }
0xdb: {  	[sflag:s0] =	ssyncadd.s32 @!p0 s1  }
0xdc: {  	[bflag:$0x3] =	sbarrier.arrive $0xFFFF  }
0xdd: {  	_ =	shalt  }

// kernel: kernel.20.cloned.1.call-start
scs
__scs_entry_jumppad:
0x0: {  	(pc) =	sbr.rel $0x88, $3  }
0x1: {  	(tag) =	ssettag $0x0;
	lr =	simm.s32 $0x1  }
0x2: {  	[smem:$0x3F97] =	sst lr;
	_ =	strace $0xD0000000  }
0x3: {  	_ = 	snop  }
0x4: {  	_ = 	snop  }
0x5: {  	_ = 	snop  }
0x6: {  	_ = 	snop  }
0x7: {  	_ = 	snop  }
__scs_overlays_trampoline_lowered:
0x8: {  	[smem:$0x3FA6] =	sst s0  }
0x9: {  	[smem:$0x3FA7] =	sst s1  }
0xa: {  	[smem:$0x3FA8] =	sst s2  }
0xb: {  	[smem:$0x3FA9] =	sst s3  }
0xc: {  	[smem:$0x3FAA] =	sst s4  }
0xd: {  	[smem:$0x3FAB] =	sst s5  }
0xe: {  	[smem:$0x3FAC] =	sst s6  }
0xf: {  	[smem:$0x3FAD] =	sst s7  }
0x10: {  	[smem:$0x3FAE] =	sst s8  }
0x11: {  	[smem:$0x3FAF] =	sst s9;
	s0 =	simm.s32 @!p0 $0x0  }
0x12: {  	s1 =	sld [smem:$0x3F95];
	s0 =	simm.s32 @p0 $0x1  }
0x13: {  	[smem:$0x3FB0] =	sst s0;
	s0 =	simm.s32 @!p1 $0x0  }
0x14: {  	s2 =	sld [smem:$0x3F94];
	s0 =	simm.s32 @p1 $0x1  }
0x15: {  	[smem:$0x3FB1] =	sst s0;
	s0 =	simm.s32 @!p2 $0x0  }
0x16: {  	s3 =	sld [smem:$0x3FDB];
	s0 =	simm.s32 @p2 $0x1  }
0x17: {  	s4 =	simm.s32 $0x1BF5;
	[smem:$0x3FB3] =	sst s0  }
0x18: {  	s0 =	sld [smem:$0x3F96];
	_ =	swait.ge [sflag:s4], $0x0  }
0x19: {  	s7 =	sld [smem:$0x3F97]  }
0x1a: {  	s8 =	sadd.s32 $0xFFFFE003, lr  }
0x1b: {  	s9 =	sadd.s32 $0xFFFFFEF7, lr;
	s5 =	simm.s32 $0xFFFFFFFF;
	p2 =	slt.u32 s8, $0xFFFFF086  }
0x1c: {  	p1 =	slt.u32 s9, $0xF7A;
	s5 =	simm.s32 @!p2 $0x0  }
0x1d: {  	s5 =	simm.s32 @p1 $0x1;
	p0 =	seq.s32 s7, s2  }
0x1e: {  	s7 =	smul.u32 @!p0 $0xF7A, s2;
	p2 =	seq.s32 @!p0 s5, $0x0  }
0x1f: {  	s9 =	smul.u32 $0xF7A, s1;
	s8 =	simm.s32 @!p0 $0x1BF5;
	p2 =	por !p2, p0  }
0x20: {  	[sflag:s8] =	ssyncset.s32 @!p0 $0xFFFFF086;
	s6 =	sadd.s32 @!p0 s3, s7;
	s7 =	simm.s32 @!p0 $0x108  }
0x21: {  	s3 =	sadd.s32 s3, s9;
	s6 =	sadd.s32 @!p0 $0x88, s6;
	s7 =	simm.s32 @p2 $0x1082  }
0x22: {  	[simem:s7], [sflag:s8] =	dma.local @!p0 [hbm:s6], $0xF7A  }
0x23: {  	s9 =	sor.u32 $0xD0000000, s2;
	s6 =	simm.s32 $0x108;
	_ =	swait.ge @!p0 [sflag:s8], $0x0  }
0x24: {  	s3 =	sadd.s32 $0x88, s3;
	s6 =	simm.s32 @!p1 $0x1082;
	[sflag:s4] =	ssyncset.s32 $0xFFFFF086  }
0x25: {  	[simem:s6], [sflag:s4] =	dma.local [hbm:s3], $0xF7A  }
0x26: {  	[smem:$0x3F97] =	sst s1;
	(tag) =	ssettag s2;
	_ =	strace s9  }
0x27: {  	s1 =	sld [smem:$0x3FA7]  }
0x28: {  	s2 =	sld [smem:$0x3FA8]  }
0x29: {  	s4 =	sld [smem:$0x3FAA]  }
0x2a: {  	p0 =	seq.s32 s5, $0x0;
	s5 =	sld [smem:$0x3FAB]  }
0x2b: {  	s6 =	sld [smem:$0x3FAC]  }
0x2c: {  	s7 =	sld [smem:$0x3FAD]  }
0x2d: {  	s3 =	simm.s32 $0x108;
	s8 =	sld [smem:$0x3FAE]  }
0x2e: {  	s3 =	simm.s32 @!p0 $0x1082;
	s9 =	sld [smem:$0x3FAF]  }
0x2f: {  	lr =	sadd.s32 s0, s3;
	s0 =	sld [smem:$0x3FA6]  }
0x30: {  	s3 =	sld [smem:$0x3FA9]  }
0x31: {  	[smem:$0x3FB2] =	sst s10  }
0x32: {  	s10 =	sld [smem:$0x3FB0];
	_ =	sdelay $0x3  }
0x33: {  	p0 =	seq.s32 s10, $0x1;
	s10 =	sld [smem:$0x3FB2];
	_ =	sdelay $0x3  }
0x34: {  	[smem:$0x3FB2] =	sst s10  }
0x35: {  	s10 =	sld [smem:$0x3FB1];
	_ =	sdelay $0x3  }
0x36: {  	p1 =	seq.s32 s10, $0x1;
	s10 =	sld [smem:$0x3FB2];
	_ =	sdelay $0x3  }
0x37: {  	[smem:$0x3FB2] =	sst s10  }
0x38: {  	s10 =	sld [smem:$0x3FB3]  }
0x39: {  	_ = 	snop;
	(pc) =	sbr.ind lr, $3  }
0x3a: {  	_ = 	snop  }
0x3b: {  	_ = 	snop  }
0x3c: {  	p2 =	seq.s32 s10, $0x1;
	s10 =	sld [smem:$0x3FB2]  }
0x3d: {  	_ =	shalt  }
0x3e: {  	_ =	shalt  }
0x3f: {  	_ =	shalt  }
0x40: {  	_ =	shalt  }
0x41: {  	_ =	shalt  }
0x42: {  	_ =	shalt  }
0x43: {  	_ =	shalt  }
0x44: {  	_ =	shalt  }
0x45: {  	_ =	shalt  }
0x46: {  	_ =	shalt  }
0x47: {  	_ =	shalt  }
0x48: {  	_ =	shalt  }
0x49: {  	_ =	shalt  }
0x4a: {  	_ =	shalt  }
0x4b: {  	_ =	shalt  }
0x4c: {  	_ =	shalt  }
0x4d: {  	_ =	shalt  }
0x4e: {  	_ =	shalt  }
0x4f: {  	_ =	shalt  }
0x50: {  	_ =	shalt  }
0x51: {  	_ =	shalt  }
0x52: {  	_ =	shalt  }
0x53: {  	_ =	shalt  }
0x54: {  	_ =	shalt  }
0x55: {  	_ =	shalt  }
0x56: {  	_ =	shalt  }
0x57: {  	_ =	shalt  }
0x58: {  	_ =	shalt  }
0x59: {  	_ =	shalt  }
0x5a: {  	_ =	shalt  }
0x5b: {  	_ =	shalt  }
0x5c: {  	_ =	shalt  }
0x5d: {  	_ =	shalt  }
0x5e: {  	_ =	shalt  }
0x5f: {  	_ =	shalt  }
0x60: {  	_ =	shalt  }
0x61: {  	_ =	shalt  }
0x62: {  	_ =	shalt  }
0x63: {  	_ =	shalt  }
0x64: {  	_ =	shalt  }
0x65: {  	_ =	shalt  }
0x66: {  	_ =	shalt  }
0x67: {  	_ =	shalt  }
0x68: {  	_ =	shalt  }
0x69: {  	_ =	shalt  }
0x6a: {  	_ =	shalt  }
0x6b: {  	_ =	shalt  }
0x6c: {  	_ =	shalt  }
0x6d: {  	_ =	shalt  }
0x6e: {  	_ =	shalt  }
0x6f: {  	_ =	shalt  }
0x70: {  	_ =	shalt  }
0x71: {  	_ =	shalt  }
0x72: {  	_ =	shalt  }
0x73: {  	_ =	shalt  }
0x74: {  	_ =	shalt  }
0x75: {  	_ =	shalt  }
0x76: {  	_ =	shalt  }
0x77: {  	_ =	shalt  }
0x78: {  	_ =	shalt  }
0x79: {  	_ =	shalt  }
0x7a: {  	_ =	shalt  }
0x7b: {  	_ =	shalt  }
0x7c: {  	_ =	shalt  }
0x7d: {  	_ =	shalt  }
0x7e: {  	_ =	shalt  }
0x7f: {  	_ =	shalt  }
0x80: {  	_ =	shalt  }
0x81: {  	_ =	shalt  }
0x82: {  	_ =	shalt  }
0x83: {  	_ =	shalt  }
0x84: {  	_ =	shalt  }
0x85: {  	_ =	shalt  }
0x86: {  	_ =	shalt  }
0x87: {  	_ =	shalt  }
.Lfunc_end0:
.L_simem_size_0:
called_computation.3_lowered:
.L_overlay_start_0:
0x88: {  	s2 =	sld [smem:$0x3FD9]  }
0x89: {  	s3 =	sld [smem:$0x3FFE];
	_ =	sdelay $0x1  }
0x8a: {  	s1 =	srdreg.scid  }
0x8b: {  	s0 =	sand.u32 $0x1, s1  }
0x8c: {  	s16 =	sshll.u32 s0, $0xA;
	s2 =	sadd.s32 s3, s2  }
0x8d: {  	s2 =	sadd.s32 s2, s16  }
0x8e: {  	[smem:$0x3FBE] =	sst s2  }
0x8f: {  	_ = 	snop  }
0x90: {  	(tm) =	ssettm $0x1  }
0x91: {  	s17 =	sld [smem:$0x3FFB];
	_ =	sdelay $0x3  }
0x92: {  	_ =	strace s17  }
0x93: {  	s2 =	sld [smem:$0x3FFC];
	_ =	sdelay $0x3  }
0x94: {  	_ =	strace s2  }
0x95: {  	s2 =	sld [smem:$0x3FFD];
	_ =	sdelay $0x3  }
0x96: {  	_ =	strace s2  }
0x97: {  	_ =	strace $0x8FFFFFFF  }
0x98: {  	s18 =	sld [smem:$0x3FDB];
	_ =	sdelay $0x1  }
0x99: {  	s19 =	simm.s32 $_scs_section_size  }
0x9a: {  	s4 =	simm.s32 $_size__tile_overlayer_lowered;
	s5 =	simm.s32 $_tile_overlayer_lowered  }
0x9b: {  	s22 =	simm.s32 $0x1BFF;
	s21 =	sshll.u32 s5, $0x1;
	s2 =	sadd.s32 s19, s18  }
0x9c: {  	s6 =	simm.s32 $0x0;
	s20 =	sshll.u32 s4, $0x1;
	s4 =	sadd.s32 s21, s2  }
0x9d: {  	[timem:s6], [sflag:s22] =	dma.local [hbm:s4], s20  }
0x9e: {  	_ =	swait.ge [sflag:s22], s20  }
0x9f: {  	s3 =	ssub.s32 $0x0, s20;
	[sflag:s22] =	ssyncset.done $0x0  }
0xa0: {  	[sflag:s22] =	ssyncadd.s32 s3;
	_ =	sdelay $0x1  }
0xa1: {  	s23 =	simm.s32 $0x1B8B  }
0xa2: {  	_ =	swait.ge [sflag:s23], $0x1  }
0xa3: {  	[sflag:s23] =	ssyncset.done $0x0  }
0xa4: {  	s25 =	simm.s32 $0x1B8E;
	s24 =	sld [smem:$0x3FFE];
	[sflag:s23] =	ssyncadd.s32 $0xFFFFFFFF  }
0xa5: {  	s26 =	simm.s32 $execute0_lowered;
	[smem:$0x3FD2] =	sst s25  }
0xa6: {  	s4 =	sshll.u32 s26, $0x1;
	_ =	strace $0x8000004F;
	[dreg:$0x1] =	wrdreg $0xFFFFFFFF  }
0xa7: {  	s28 =	simm.s32 $_size_execute0_lowered;
	s2 =	sadd.s32 s2, s4;
	[dreg:$0x0] =	wrdreg $0x0  }
0xa8: {  	s4 =	sshll.u32 s28, $0x1;
	[dreg:$0x2] =	wrdreg s2  }
0xa9: {  	[dreg:$0x3] =	wrdreg s4  }
0xaa: {  	[dreg:$0x4] =	wrdreg $0xC0  }
0xab: {  	_ =	task [dreg:s6], $0x5FFFF  }
0xac: {  	[dreg:$0x1] =	wrdreg $0xFFFFFFFF  }
0xad: {  	[dreg:$0x0] =	wrdreg $0x60  }
0xae: {  	[dreg:$0x2] =	wrdreg s24  }
0xaf: {  	[dreg:$0x3] =	wrdreg $0x9  }
0xb0: {  	_ =	task.clear_ibuf [dreg:s6], $0x4FFFF;
	_ =	strace $0x9000004F  }
0xb1: {  	s29 =	simm.s32 $0x9;
	_ =	strace $0x80000051  }
0xb2: {  	_ =	swait.ge [sflag:s29], $0x1  }
0xb3: {  	[sflag:s29] =	ssyncadd.s32 $0xFFFFFFFF  }
0xb4: {  	_ =	strace $0x90000051  }
0xb5: {  	_ =	sfence  }
0xb6: {  	s30 =	sld [smem:$0x0];
	_ =	sdelay $0x2  }
0xb7: {  	s31 =	sshll.u32 s1, $0xD;
	s1 =	sshrl.u32 s1, $0x2  }
0xb8: {  	s3 =	sand.u32 $0x4000, s31;
	s1 =	sadd.s32 s1, s30  }
0xb9: {  	s0 =	sor.u32 s3, s0;
	s1 =	sshll.u32 s1, $0x11  }
0xba: {  	s0 =	sor.u32 s1, s0  }
0xbb: {  	s0 =	sadd.s32 $0x8F2B, s0  }
0xbc: {  	[sflag:s0] =	ssyncadd.remote.s32 $0x1  }
0xbd: {  	_ =	sfence.sel $0xFFFF  }
0xbe: {  	[dreg:$0x0] =	wrdreg $0xFFFFFFFF;
	(pc) =	sbr.abs _section_cstart, $3  }
0xbf: {  	[dreg:$0x1] =	wrdreg $0xFFFFFFFF  }
0xc0: {  	_ =	task.clear_ibuf [dreg:s6], $0x2FFFF;
	_ =	strace $0x9FFFFFFF  }
0xc1: {  	(tm) =	ssettm $0x7FFFFFFF  }
tec
execute0_lowered:
.L_overlay_start_1:
0x0: {  	(tag) =	ssettag $0x1  }
0x1: {  	s1 =	srdreg.scid  }
0x2: {  	s0 =	stileid.u32;
	s1 =	sand.u32 $0x1, s1  }
0x3: {  	s2 =	sshll.u32 s0, $0x5;
	s3 =	sshll.u32 s1, $0x4  }
0x4: {  	s5 =	rddreg [dreg:$0x0];
	s3 =	sor.u32 s3, s2;
	s2 =	simm.s32 $0x0  }
0x5: {  	s26 =	simm.s32 $0x880;
	[smem:$0x7FF] =	sst s2  }
0x6: {  	s0 =	simm.s32 $0x1080;
	_ =	strace $0x80000050;
	[dreg:$0x4] =	wrdreg s26  }
0x7: {  	s6 =	simm.s32 $0x2080;
	[dreg:$0x5] =	wrdreg s0  }
0x8: {  	s7 =	simm.s32 $0x2880;
	[dreg:$0x7] =	wrdreg s6  }
0x9: {  	s8 =	simm.s32 $0x3080;
	[dreg:$0x8] =	wrdreg s7  }
0xa: {  	s9 =	simm.s32 $0x3880;
	[dreg:$0x9] =	wrdreg s8  }
0xb: {  	s10 =	simm.s32 $0x4080;
	[dreg:$0xa] =	wrdreg s9  }
0xc: {  	s11 =	simm.s32 $0x4880;
	[dreg:$0xb] =	wrdreg s10  }
0xd: {  	s12 =	simm.s32 $0x5080;
	[dreg:$0xc] =	wrdreg s11  }
0xe: {  	s13 =	simm.s32 $0x5880;
	[dreg:$0xd] =	wrdreg s12  }
0xf: {  	s14 =	simm.s32 $0x6080;
	[dreg:$0xe] =	wrdreg s13  }
0x10: {  	s15 =	simm.s32 $0x6880;
	[dreg:$0xf] =	wrdreg s14  }
0x11: {  	s16 =	simm.s32 $0x7080;
	[dreg:$0x10] =	wrdreg s15  }
0x12: {  	s17 =	simm.s32 $0x7880;
	s18 =	simm.s32 $0x8080;
	[dreg:$0x11] =	wrdreg s16  }
0x13: {  	s19 =	simm.s32 $0x8880;
	s20 =	simm.s32 $0x9080;
	[dreg:$0x12] =	wrdreg s17  }
0x14: {  	s21 =	simm.s32 $0x9880;
	s22 =	simm.s32 $0xA080;
	[dreg:$0x13] =	wrdreg s18  }
0x15: {  	s23 =	simm.s32 $0xA880;
	s24 =	simm.s32 $0xB880;
	[dreg:$0x14] =	wrdreg s19  }
0x16: {  	s28 =	simm.s32 $0x16080;
	s29 =	simm.s32 $0x16880;
	[dreg:$0x15] =	wrdreg s20  }
0x17: {  	s30 =	simm.s32 $0x17080;
	s31 =	simm.s32 $0x17880;
	[dreg:$0x16] =	wrdreg s21  }
0x18: {  	s4 =	smul.u32 $0x300, s3;
	s3 =	sadd.s32 s3, s5;
	[dreg:$0x17] =	wrdreg s22  }
0x19: {  	s1 =	ssub.s32 $0x2, s1;
	s3 =	sadd.s32 $0x13BC00, s3;
	[dreg:$0x18] =	wrdreg s23  }
0x1a: {  	s6 =	sshrl.u32 s1, $0x1;
	s7 =	simm.s32 $0xB080;
	[dreg:$0x1a] =	wrdreg s24  }
0x1b: {  	s8 =	simm.s32 $0x80;
	s26 =	simm.s32 $0xC880;
	s10 =	simm.s32 $0xD880  }
0x1c: {  	s11 =	simm.s32 $0xE080;
	s12 =	simm.s32 $0xE880;
	s13 =	simm.s32 $0xF080  }
0x1d: {  	s14 =	simm.s32 $0xF880;
	s15 =	simm.s32 $0x10080;
	s16 =	simm.s32 $0x10880  }
0x1e: {  	s17 =	simm.s32 $0x11080;
	s18 =	simm.s32 $0x11880;
	s19 =	simm.s32 $0x12080  }
0x1f: {  	s20 =	simm.s32 $0x12880;
	s21 =	simm.s32 $0x13080;
	s22 =	simm.s32 $0x13880  }
0x20: {  	s23 =	simm.s32 $0x14080;
	s24 =	simm.s32 $0x14880;
	[dreg:$0x2] =	wrdreg s3  }
0x21: {  	s4 =	sadd.s32 s4, s5;
	s3 =	sadd.s32 $0x61C00, s5;
	[dreg:$0x19] =	wrdreg s7  }
0x22: {  	s1 =	ssub.s32 s1, s6;
	s7 =	simm.s32 $0x2;
	[dreg:$0x1c] =	wrdreg s26  }
0x23: {  	s26 =	simm.s32 $0x15880;
	s25 =	sadd.s32 $0xD9C00, s4;
	s4 =	simm.s32 $0x1880  }
0x24: {  	v2 =	vlaneseq.u32;
	s6 =	smax.u32 s1, $0x1;
	s1 =	simm.s32 $0x1;
	[dreg:$0x3] =	wrdreg s25  }
0x25: {  	vm0 =	vmmov $0xffff;
	v1 =	vshrl.u32 v2, $0x3;
	[dreg:$0x6] =	wrdreg s4;
	s4 =	sadd.s32 $0x61D00, s5;
	s25 =	simm.s32 $0xC080  }
0x26: {  	v0 =	vand.u32 $0x7, v2;
	v2 =	vor.u32 $0x8, v2;
	v1 =	vmul.u32 $0x8, v1;
	s5 =	sadd.s32 $0x61E00, s5;
	[dreg:$0x1b] =	wrdreg s25;
	s25 =	simm.s32 $0x15080  }
.LBB2_1:
0x27: {  	s0 =	rddreg [dreg:$0x2]  }
0x28: {  	[tilespmem:s2], [sflag:$0x2] =	stream.linear.gather [hbm4b:s0+s2], $0x80, $0x38;
	[tilespmem:$0x18080] =	vst v63  }
0x29: {  	_ =	swait.ge [sflag:s7], $0x80  }
0x2a: {  	[sflag:s7] =	ssyncset.done $0x0  }
0x2b: {  	[sflag:s7] =	ssyncadd.s32 $0xFFFFFF80  }
0x2c: {  	v3 =	vld [tilespmem:$0x0];
	_ =	sdelay $0x4  }
0x2d: {  	v4 =	vshrl.u32 v3, $0x3  }
0x2e: {  	v4 =	vmul.u32 $0x30, v4  }
0x2f: {  	v3 =	vand.u32 $0x7, v3  }
0x30: {  	v3 =	vor.u32 v3, v4  }
0x31: {  	v4 =	vperm.xlane v3, v0;
	_ =	sdelay $0x1  }
0x32: {  	v4 =	vadd.s32 v1, v4;
	_ =	sdelay $0x3  }
0x33: {  	v3 =	vperm.xlane v3, v2  }
0x34: {  	[tilespmem:s8], [sflag:$0x1] =	stream.indirect_vreg.gather [hbm4b:s3+s2], $0x80, v4, vm0, $0xb8;
	[tilespmem:$0x18080] =	vst v63  }
0x35: {  	s0 =	rddreg [dreg:$0x4];
	v3 =	vadd.s32 v1, v3  }
0x36: {  	[tilespmem:s0], [sflag:$0x1] =	stream.indirect_vreg.gather [hbm4b:s4+s2], $0x80, v4, vm0, $0xb8;
	[tilespmem:$0x18080] =	vst v63  }
0x37: {  	s9 =	rddreg [dreg:$0x5]  }
0x38: {  	[tilespmem:s9], [sflag:$0x1] =	stream.indirect_vreg.gather [hbm4b:s5+s2], $0x80, v4, vm0, $0xb8;
	[tilespmem:$0x18080] =	vst v63  }
0x39: {  	s0 =	rddreg [dreg:$0x6]  }
0x3a: {  	[tilespmem:s0], [sflag:$0x1] =	stream.indirect_vreg.gather [hbm4b:s3+s2], $0x80, v3, vm0, $0xb8;
	[tilespmem:$0x18080] =	vst v63  }
0x3b: {  	s9 =	rddreg [dreg:$0x7]  }
0x3c: {  	[tilespmem:s9], [sflag:$0x1] =	stream.indirect_vreg.gather [hbm4b:s4+s2], $0x80, v3, vm0, $0xb8;
	[tilespmem:$0x18080] =	vst v63  }
0x3d: {  	s0 =	rddreg [dreg:$0x8]  }
0x3e: {  	[tilespmem:s0], [sflag:$0x1] =	stream.indirect_vreg.gather [hbm4b:s5+s2], $0x80, v3, vm0, $0xb8;
	[tilespmem:$0x18080] =	vst v63  }
0x3f: {  	v3 =	vld [tilespmem:$0x10];
	_ =	sdelay $0x4  }
0x40: {  	v57 =	vshrl.u32 v3, $0x3  }
0x41: {  	v4 =	vmul.u32 $0x30, v57  }
0x42: {  	v3 =	vand.u32 $0x7, v3  }
0x43: {  	v3 =	vor.u32 v3, v4  }
0x44: {  	v4 =	vperm.xlane v3, v0;
	_ =	sdelay $0x1  }
0x45: {  	v4 =	vadd.s32 v1, v4;
	_ =	sdelay $0x3  }
0x46: {  	s0 =	rddreg [dreg:$0x9];
	v3 =	vperm.xlane v3, v2  }
0x47: {  	[tilespmem:s0], [sflag:$0x1] =	stream.indirect_vreg.gather [hbm4b:s3+s2], $0x80, v4, vm0, $0xb8;
	[tilespmem:$0x18080] =	vst v63  }
0x48: {  	s9 =	rddreg [dreg:$0xa];
	v3 =	vadd.s32 v1, v3  }
0x49: {  	[tilespmem:s9], [sflag:$0x1] =	stream.indirect_vreg.gather [hbm4b:s4+s2], $0x80, v4, vm0, $0xb8;
	[tilespmem:$0x18080] =	vst v63  }
0x4a: {  	s0 =	rddreg [dreg:$0xb]  }
0x4b: {  	[tilespmem:s0], [sflag:$0x1] =	stream.indirect_vreg.gather [hbm4b:s5+s2], $0x80, v4, vm0, $0xb8;
	[tilespmem:$0x18080] =	vst v63  }
0x4c: {  	s9 =	rddreg [dreg:$0xc]  }
0x4d: {  	[tilespmem:s9], [sflag:$0x1] =	stream.indirect_vreg.gather [hbm4b:s3+s2], $0x80, v3, vm0, $0xb8;
	[tilespmem:$0x18080] =	vst v63  }
0x4e: {  	s0 =	rddreg [dreg:$0xd]  }
0x4f: {  	[tilespmem:s0], [sflag:$0x1] =	stream.indirect_vreg.gather [hbm4b:s4+s2], $0x80, v3, vm0, $0xb8;
	[tilespmem:$0x18080] =	vst v63  }
0x50: {  	s9 =	rddreg [dreg:$0xe]  }
0x51: {  	[tilespmem:s9], [sflag:$0x1] =	stream.indirect_vreg.gather [hbm4b:s5+s2], $0x80, v3, vm0, $0xb8;
	[tilespmem:$0x18080] =	vst v63  }
0x52: {  	v3 =	vld [tilespmem:$0x20];
	_ =	sdelay $0x4  }
0x53: {  	v58 =	vshrl.u32 v3, $0x3  }
0x54: {  	v4 =	vmul.u32 $0x30, v58  }
0x55: {  	v3 =	vand.u32 $0x7, v3  }
0x56: {  	v3 =	vor.u32 v3, v4  }
0x57: {  	v4 =	vperm.xlane v3, v0;
	_ =	sdelay $0x1  }
0x58: {  	v4 =	vadd.s32 v1, v4;
	_ =	sdelay $0x3  }
0x59: {  	s0 =	rddreg [dreg:$0xf];
	v3 =	vperm.xlane v3, v2  }
0x5a: {  	[tilespmem:s0], [sflag:$0x1] =	stream.indirect_vreg.gather [hbm4b:s3+s2], $0x80, v4, vm0, $0xb8;
	[tilespmem:$0x18080] =	vst v63  }
0x5b: {  	s9 =	rddreg [dreg:$0x10];
	v3 =	vadd.s32 v1, v3  }
0x5c: {  	[tilespmem:s9], [sflag:$0x1] =	stream.indirect_vreg.gather [hbm4b:s4+s2], $0x80, v4, vm0, $0xb8;
	[tilespmem:$0x18080] =	vst v63  }
0x5d: {  	s0 =	rddreg [dreg:$0x11]  }
0x5e: {  	[tilespmem:s0], [sflag:$0x1] =	stream.indirect_vreg.gather [hbm4b:s5+s2], $0x80, v4, vm0, $0xb8;
	[tilespmem:$0x18080] =	vst v63  }
0x5f: {  	s9 =	rddreg [dreg:$0x12]  }
0x60: {  	[tilespmem:s9], [sflag:$0x1] =	stream.indirect_vreg.gather [hbm4b:s3+s2], $0x80, v3, vm0, $0xb8;
	[tilespmem:$0x18080] =	vst v63  }
0x61: {  	s0 =	rddreg [dreg:$0x13]  }
0x62: {  	[tilespmem:s0], [sflag:$0x1] =	stream.indirect_vreg.gather [hbm4b:s4+s2], $0x80, v3, vm0, $0xb8;
	[tilespmem:$0x18080] =	vst v63  }
0x63: {  	s9 =	rddreg [dreg:$0x14]  }
0x64: {  	[tilespmem:s9], [sflag:$0x1] =	stream.indirect_vreg.gather [hbm4b:s5+s2], $0x80, v3, vm0, $0xb8;
	[tilespmem:$0x18080] =	vst v63  }
0x65: {  	v3 =	vld [tilespmem:$0x30];
	_ =	sdelay $0x4  }
0x66: {  	v59 =	vshrl.u32 v3, $0x3  }
0x67: {  	v4 =	vmul.u32 $0x30, v59  }
0x68: {  	v3 =	vand.u32 $0x7, v3  }
0x69: {  	v3 =	vor.u32 v3, v4  }
0x6a: {  	v4 =	vperm.xlane v3, v0;
	_ =	sdelay $0x1  }
0x6b: {  	v4 =	vadd.s32 v1, v4;
	_ =	sdelay $0x3  }
0x6c: {  	s0 =	rddreg [dreg:$0x15];
	v3 =	vperm.xlane v3, v2  }
0x6d: {  	[tilespmem:s0], [sflag:$0x1] =	stream.indirect_vreg.gather [hbm4b:s3+s2], $0x80, v4, vm0, $0xb8;
	[tilespmem:$0x18080] =	vst v63  }
0x6e: {  	s9 =	rddreg [dreg:$0x16];
	v3 =	vadd.s32 v1, v3  }
0x6f: {  	[tilespmem:s9], [sflag:$0x1] =	stream.indirect_vreg.gather [hbm4b:s4+s2], $0x80, v4, vm0, $0xb8;
	[tilespmem:$0x18080] =	vst v63  }
0x70: {  	s0 =	rddreg [dreg:$0x17]  }
0x71: {  	[tilespmem:s0], [sflag:$0x1] =	stream.indirect_vreg.gather [hbm4b:s5+s2], $0x80, v4, vm0, $0xb8;
	[tilespmem:$0x18080] =	vst v63  }
0x72: {  	s9 =	rddreg [dreg:$0x18]  }
0x73: {  	[tilespmem:s9], [sflag:$0x1] =	stream.indirect_vreg.gather [hbm4b:s3+s2], $0x80, v3, vm0, $0xb8;
	[tilespmem:$0x18080] =	vst v63  }
0x74: {  	s0 =	rddreg [dreg:$0x19]  }
0x75: {  	[tilespmem:s0], [sflag:$0x1] =	stream.indirect_vreg.gather [hbm4b:s4+s2], $0x80, v3, vm0, $0xb8;
	[tilespmem:$0x18080] =	vst v63  }
0x76: {  	s9 =	rddreg [dreg:$0x1a]  }
0x77: {  	[tilespmem:s9], [sflag:$0x1] =	stream.indirect_vreg.gather [hbm4b:s5+s2], $0x80, v3, vm0, $0xb8;
	[tilespmem:$0x18080] =	vst v63  }
0x78: {  	v3 =	vld [tilespmem:$0x40];
	_ =	sdelay $0x4  }
0x79: {  	v60 =	vshrl.u32 v3, $0x3  }
0x7a: {  	v4 =	vmul.u32 $0x30, v60  }
0x7b: {  	v3 =	vand.u32 $0x7, v3  }
0x7c: {  	v3 =	vor.u32 v3, v4  }
0x7d: {  	v4 =	vperm.xlane v3, v0;
	_ =	sdelay $0x1  }
0x7e: {  	v4 =	vadd.s32 v1, v4;
	_ =	sdelay $0x3  }
0x7f: {  	s0 =	rddreg [dreg:$0x1b];
	v3 =	vperm.xlane v3, v2  }
0x80: {  	[tilespmem:s0], [sflag:$0x1] =	stream.indirect_vreg.gather [hbm4b:s3+s2], $0x80, v4, vm0, $0xb8;
	[tilespmem:$0x18080] =	vst v63  }
0x81: {  	s9 =	rddreg [dreg:$0x1c];
	v3 =	vadd.s32 v1, v3  }
0x82: {  	[tilespmem:s9], [sflag:$0x1] =	stream.indirect_vreg.gather [hbm4b:s4+s2], $0x80, v4, vm0, $0xb8;
	[tilespmem:$0x18080] =	vst v63  }
0x83: {  	s9 =	simm.s32 $0xD080  }
0x84: {  	[tilespmem:s9], [sflag:$0x1] =	stream.indirect_vreg.gather [hbm4b:s5+s2], $0x80, v4, vm0, $0xb8;
	[tilespmem:$0x18080] =	vst v63  }
0x85: {  	_ = 	snop  }
0x86: {  	[tilespmem:s10], [sflag:$0x1] =	stream.indirect_vreg.gather [hbm4b:s3+s2], $0x80, v3, vm0, $0xb8;
	[tilespmem:$0x18080] =	vst v63  }
0x87: {  	_ = 	snop  }
0x88: {  	[tilespmem:s11], [sflag:$0x1] =	stream.indirect_vreg.gather [hbm4b:s4+s2], $0x80, v3, vm0, $0xb8;
	[tilespmem:$0x18080] =	vst v63  }
0x89: {  	_ = 	snop  }
0x8a: {  	[tilespmem:s12], [sflag:$0x1] =	stream.indirect_vreg.gather [hbm4b:s5+s2], $0x80, v3, vm0, $0xb8;
	[tilespmem:$0x18080] =	vst v63  }
0x8b: {  	v3 =	vld [tilespmem:$0x50];
	_ =	sdelay $0x4  }
0x8c: {  	v61 =	vshrl.u32 v3, $0x3  }
0x8d: {  	v4 =	vmul.u32 $0x30, v61  }
0x8e: {  	v3 =	vand.u32 $0x7, v3  }
0x8f: {  	v3 =	vor.u32 v3, v4  }
0x90: {  	v4 =	vperm.xlane v3, v0;
	_ =	sdelay $0x1  }
0x91: {  	v4 =	vadd.s32 v1, v4;
	_ =	sdelay $0x3  }
0x92: {  	v3 =	vperm.xlane v3, v2  }
0x93: {  	[tilespmem:s13], [sflag:$0x1] =	stream.indirect_vreg.gather [hbm4b:s3+s2], $0x80, v4, vm0, $0xb8;
	[tilespmem:$0x18080] =	vst v63  }
0x94: {  	v3 =	vadd.s32 v1, v3  }
0x95: {  	[tilespmem:s14], [sflag:$0x1] =	stream.indirect_vreg.gather [hbm4b:s4+s2], $0x80, v4, vm0, $0xb8;
	[tilespmem:$0x18080] =	vst v63  }
0x96: {  	_ = 	snop  }
0x97: {  	[tilespmem:s15], [sflag:$0x1] =	stream.indirect_vreg.gather [hbm4b:s5+s2], $0x80, v4, vm0, $0xb8;
	[tilespmem:$0x18080] =	vst v63  }
0x98: {  	_ = 	snop  }
0x99: {  	[tilespmem:s16], [sflag:$0x1] =	stream.indirect_vreg.gather [hbm4b:s3+s2], $0x80, v3, vm0, $0xb8;
	[tilespmem:$0x18080] =	vst v63  }
0x9a: {  	_ = 	snop  }
0x9b: {  	[tilespmem:s17], [sflag:$0x1] =	stream.indirect_vreg.gather [hbm4b:s4+s2], $0x80, v3, vm0, $0xb8;
	[tilespmem:$0x18080] =	vst v63  }
0x9c: {  	_ = 	snop  }
0x9d: {  	[tilespmem:s18], [sflag:$0x1] =	stream.indirect_vreg.gather [hbm4b:s5+s2], $0x80, v3, vm0, $0xb8;
	[tilespmem:$0x18080] =	vst v63  }
0x9e: {  	v3 =	vld [tilespmem:$0x60];
	_ =	sdelay $0x4  }
0x9f: {  	v62 =	vshrl.u32 v3, $0x3  }
0xa0: {  	v4 =	vmul.u32 $0x30, v62  }
0xa1: {  	v3 =	vand.u32 $0x7, v3  }
0xa2: {  	v3 =	vor.u32 v3, v4  }
0xa3: {  	v4 =	vperm.xlane v3, v0;
	_ =	sdelay $0x1  }
0xa4: {  	v4 =	vadd.s32 v1, v4;
	_ =	sdelay $0x3  }
0xa5: {  	v3 =	vperm.xlane v3, v2  }
0xa6: {  	[tilespmem:s19], [sflag:$0x1] =	stream.indirect_vreg.gather [hbm4b:s3+s2], $0x80, v4, vm0, $0xb8;
	[tilespmem:$0x18080] =	vst v63  }
0xa7: {  	v3 =	vadd.s32 v1, v3  }
0xa8: {  	[tilespmem:s20], [sflag:$0x1] =	stream.indirect_vreg.gather [hbm4b:s4+s2], $0x80, v4, vm0, $0xb8;
	[tilespmem:$0x18080] =	vst v63  }
0xa9: {  	_ = 	snop  }
0xaa: {  	[tilespmem:s21], [sflag:$0x1] =	stream.indirect_vreg.gather [hbm4b:s5+s2], $0x80, v4, vm0, $0xb8;
	[tilespmem:$0x18080] =	vst v63  }
0xab: {  	_ = 	snop  }
0xac: {  	[tilespmem:s22], [sflag:$0x1] =	stream.indirect_vreg.gather [hbm4b:s3+s2], $0x80, v3, vm0, $0xb8;
	[tilespmem:$0x18080] =	vst v63  }
0xad: {  	_ = 	snop  }
0xae: {  	[tilespmem:s23], [sflag:$0x1] =	stream.indirect_vreg.gather [hbm4b:s4+s2], $0x80, v3, vm0, $0xb8;
	[tilespmem:$0x18080] =	vst v63  }
0xaf: {  	_ = 	snop  }
0xb0: {  	[tilespmem:s24], [sflag:$0x1] =	stream.indirect_vreg.gather [hbm4b:s5+s2], $0x80, v3, vm0, $0xb8;
	[tilespmem:$0x18080] =	vst v63  }
0xb1: {  	v3 =	vld [tilespmem:$0x70];
	_ =	sdelay $0x4  }
0xb2: {  	v63 =	vshrl.u32 v3, $0x3  }
0xb3: {  	v4 =	vmul.u32 $0x30, v63  }
0xb4: {  	v3 =	vand.u32 $0x7, v3  }
0xb5: {  	v3 =	vor.u32 v3, v4  }
0xb6: {  	v4 =	vperm.xlane v3, v0;
	_ =	sdelay $0x1  }
0xb7: {  	v4 =	vadd.s32 v1, v4;
	_ =	sdelay $0x3  }
0xb8: {  	v3 =	vperm.xlane v3, v2  }
0xb9: {  	[tilespmem:s25], [sflag:$0x1] =	stream.indirect_vreg.gather [hbm4b:s3+s2], $0x80, v4, vm0, $0xb8;
	[tilespmem:$0x18080] =	vst v63  }
0xba: {  	v3 =	vadd.s32 v1, v3  }
0xbb: {  	[tilespmem:s26], [sflag:$0x1] =	stream.indirect_vreg.gather [hbm4b:s4+s2], $0x80, v4, vm0, $0xb8;
	[tilespmem:$0x18080] =	vst v63  }
0xbc: {  	_ = 	snop  }
0xbd: {  	[tilespmem:s28], [sflag:$0x1] =	stream.indirect_vreg.gather [hbm4b:s5+s2], $0x80, v4, vm0, $0xb8;
	[tilespmem:$0x18080] =	vst v63  }
0xbe: {  	_ = 	snop  }
0xbf: {  	[tilespmem:s29], [sflag:$0x1] =	stream.indirect_vreg.gather [hbm4b:s3+s2], $0x80, v3, vm0, $0xb8;
	[tilespmem:$0x18080] =	vst v63  }
0xc0: {  	_ = 	snop  }
0xc1: {  	[tilespmem:s30], [sflag:$0x1] =	stream.indirect_vreg.gather [hbm4b:s4+s2], $0x80, v3, vm0, $0xb8;
	[tilespmem:$0x18080] =	vst v63  }
0xc2: {  	_ = 	snop  }
0xc3: {  	[tilespmem:s31], [sflag:$0x1] =	stream.indirect_vreg.gather [hbm4b:s5+s2], $0x80, v3, vm0, $0xb8;
	[tilespmem:$0x18080] =	vst v63  }
0xc4: {  	_ =	swait.ge [sflag:s1], $0x18000  }
0xc5: {  	p0 =	sne.s32 s6, $0x1;
	[sflag:s1] =	ssyncset.done $0x0  }
.Ltmp0:
0xc6: {  	s9 =	rddreg [dreg:$0x3];
	[sflag:s1] =	ssyncadd.s32 $0xFFFE8000;
	(pc) =	sbr.rel @p0 .LBB2_1-.Ltmp0, $4  }
0xc7: {  	[hbm4b:s9+s2] =	stream.linear.scatter [tilespmem:s8], [sflag:$0x2], $0x18000, $0x38;
	[tilespmem:$0x18080] =	vst v63  }
0xc8: {  	_ =	swait.ge [sflag:s7], $0x18000  }
0xc9: {  	[sflag:s7] =	ssyncset.done $0x0  }
0xca: {  	s6 =	sadd.s32 $0xFFFFFFFF, s6;
	[sflag:s7] =	ssyncadd.s32 $0xFFFE8000  }
0xcb: {  	_ =	sfence.sel $0x180000  }
0xcc: {  	[bflag:$0x0] =	sbarrier.arrive $0xFFFF  }
0xcd: {  	_ =	strace $0x90000050  }
0xce: {  	s0 =	stileid.u32;
	[bflag:$0x2] =	sbarrier.arrive $0xFFFF  }
0xcf: {  	p0 =	sne.s32 s0, $0x0;
	s0 =	rddreg [dreg:$0x1]  }
0xd0: {  	s0 =	sadd.s32 @!p0 $0x100000, s0  }
0xd1: {  	[sflag:s0] =	ssyncadd.tile.s32 @!p0 $0x1;
	_ =	shalt  }
.Lfunc_end2:
_tile_overlayer_lowered:
.L_overlay_start_2:
0xd2: {  	(tag) =	ssettag $0x2  }
0xd3: {  	s0 =	rddreg [dreg:$0x0];
	s2 =	stileid.u32  }
0xd4: {  	s1 =	rddreg [dreg:$0x1];
	p0 =	sne.s32 s2, $0x0  }
0xd5: {  	s3 =	rddreg [dreg:$0x2];
	[bflag:$0x3] =	sbarrier.arrive $0xFFFF;
	s2 =	simm.s32 @!p0 $0x1C02  }
0xd6: {  	[timem:s3], [sflag:s2] =	dma.local @!p0 [hbm:s0], s1  }
0xd7: {  	s0 =	simm.s32 @!p0 $0x2  }
0xd8: {  	_ =	swait.ge @!p0 [sflag:s0], s1  }
0xd9: {  	s1 =	ssub.s32 @!p0 $0x0, s1;
	[sflag:s0] =	ssyncset.done @!p0 $0x0  }
0xda: {  	[sflag:s0] =	ssyncadd.s32 @!p0 s1  }
0xdb: {  	[bflag:$0x3] =	sbarrier.arrive $0xFFFF  }
0xdc: {  	_ =	shalt  }

</sc_bundles>
